<compile_context>
chip_gen: v7x
topology: tpu7x:2x2x1
jax: 0.10.2.dev20260603
libtpu: 0.0.44.dev20260713+nightly
codegen_flags: <defaults>
</compile_context>

<pallas_src>
import functools

import jax
import jax.numpy as jnp
from jax import lax
from jax.experimental import pallas as pl
from jax.experimental.pallas import tpu as pltpu
from jax.experimental.pallas import tpu_sc as plsc

N_PAPER = 10000
N_AUTHOR = 10000
D = 256
H = 256
C = 64
E = 160000
ALPHA = 0.01

NC = 2
NS = 16
NW = NC * NS
CHUNK = 128
NBUF = 2
DUMP = N_PAPER
NROWS_PAD = 10112
ZSTRIPE = NROWS_PAD // NS
NQ = -(-ZSTRIPE // CHUNK)
NBUF2 = 2

_f32 = jnp.float32



_DENSE_BLK = 1000


def _dense_body(x_ref, w_ref, b_ref, wout_ref, o_ref):
    h = jnp.dot(x_ref[...], w_ref[...], preferred_element_type=_f32)
    h = jnp.maximum(h + b_ref[...], 0.0)
    o_ref[...] = jnp.dot(h, wout_ref[...], preferred_element_type=_f32)


def _dense_project(x, w, b, w_out):
    n = x.shape[0]
    return pl.pallas_call(
        _dense_body,
        grid=(n // _DENSE_BLK,),
        in_specs=[
            pl.BlockSpec((_DENSE_BLK, D), lambda i: (i, 0)),
            pl.BlockSpec((D, H), lambda i: (0, 0)),
            pl.BlockSpec((1, H), lambda i: (0, 0)),
            pl.BlockSpec((H, C), lambda i: (0, 0)),
        ],
        out_specs=pl.BlockSpec((_DENSE_BLK, C), lambda i: (i, 0)),
        out_shape=jax.ShapeDtypeStruct((NROWS_PAD, C), _f32),
    )(x, w, b.reshape(1, H), w_out)




def _edge_pipeline(table, srcv, dstv, k, rows, acc, gsems, ssems, nbuf):
    for b in range(nbuf):
        pltpu.async_copy(table.at[srcv.at[b]], rows.at[b], gsems[b])

    def group(i, carry):
        for b in range(nbuf):
            j = i * nbuf + b
            pltpu.make_async_copy(table.at[srcv.at[j]], rows.at[b],
                                  gsems[b]).wait()
            pltpu.async_copy(rows.at[b], acc.at[dstv.at[j]], ssems[b],
                             add=True)
        for b in range(nbuf):
            j = i * nbuf + b
            pltpu.make_async_copy(rows.at[b], acc.at[dstv.at[j]],
                                  ssems[b]).wait()

            @pl.when(j + nbuf < k)
            def _(b=b, j=j):
                pltpu.async_copy(table.at[srcv.at[j + nbuf]], rows.at[b],
                                 gsems[b])

        return carry

    lax.fori_loop(0, k // nbuf, group, 0)


def _segsum2_body(k, table_a, table_p, idx, zeros, out,
                  sv0, dv0, sv1, dv1, rows, acc, tbl, *sems):
    gsems, ssems = sems[:NBUF], sems[NBUF:]
    c = lax.axis_index("c")
    s = lax.axis_index("s")
    wid = c * NS + s
    stripe = pl.ds(s * ZSTRIPE, ZSTRIPE)
    stage = [(zeros.at[stripe], acc.at[stripe]),
             (table_a.at[stripe], tbl.at[stripe]),
             (idx.at[0, wid], sv0), (idx.at[1, wid], dv0),
             (idx.at[2, wid], sv1), (idx.at[3, wid], dv1)]
    for i, (src, dst) in enumerate(stage):
        pltpu.async_copy(src, dst, sems[i % (2 * NBUF)])
    for i, (src, dst) in enumerate(stage):
        pltpu.make_async_copy(src, dst, sems[i % (2 * NBUF)]).wait()
    plsc.subcore_barrier()
    _edge_pipeline(tbl, sv0, dv0, k, rows, acc, gsems, ssems, NBUF)
    plsc.subcore_barrier()
    pltpu.sync_copy(table_p.at[stripe], tbl.at[stripe])
    plsc.subcore_barrier()
    _edge_pipeline(tbl, sv1, dv1, k, rows, acc, gsems, ssems, NBUF)
    plsc.subcore_barrier()
    pltpu.sync_copy(acc.at[stripe], out.at[c, stripe])


def _segsum_final_body(k, parts, idx, ident, zeros, out, mw_out,
                       sv, dv, idv, rows, acc, tbl, *sems):
    gsems, ssems, wsem = sems[:NBUF2], sems[NBUF2:2 * NBUF2], sems[-1]
    c = lax.axis_index("c")
    s = lax.axis_index("s")
    wid = c * NS + s
    stripe = pl.ds(s * ZSTRIPE, ZSTRIPE)
    stage = [(zeros.at[stripe], acc.at[stripe]),
             (parts.at[0, stripe], tbl.at[stripe]),
             (ident.at[s], idv),
             (idx.at[2, wid], sv), (idx.at[3, wid], dv)]
    for i, (src, dst) in enumerate(stage):
        pltpu.async_copy(src, dst, sems[i % (2 * NBUF2)])
    for i, (src, dst) in enumerate(stage):
        pltpu.make_async_copy(src, dst, sems[i % (2 * NBUF2)]).wait()
    def bounce(q, b):
        n_r = min(CHUNK, ZSTRIPE - q * CHUNK)
        return (parts.at[1, pl.ds(s * ZSTRIPE + q * CHUNK, n_r)],
                rows.at[b, pl.ds(0, n_r)])

    pltpu.async_copy(*bounce(0, 0), gsems[0])
    for q in range(NQ):
        b = q % NBUF2
        pltpu.make_async_copy(*bounce(q, b), gsems[b]).wait()
        if q + 1 < NQ:
            pltpu.async_copy(*bounce(q + 1, (q + 1) % NBUF2),
                             gsems[(q + 1) % NBUF2])
        pltpu.sync_copy(rows.at[b], tbl.at[idv.at[q]], add=True)
    plsc.subcore_barrier()

    @pl.when(c == 0)
    def _():
        pltpu.async_copy(tbl.at[stripe], mw_out.at[stripe], wsem)

    _edge_pipeline(tbl, sv, dv, k, rows, acc, gsems, ssems, NBUF2)

    @pl.when(c == 0)
    def _():
        pltpu.make_async_copy(tbl.at[stripe], mw_out.at[stripe],
                              wsem).wait()

    plsc.subcore_barrier()
    pltpu.sync_copy(acc.at[stripe], out.at[c, stripe])


_MESH = dict(core_axis_name="c", subcore_axis_name="s")


def _sc_pass1(table_a, table_p, idx, zeros):
    k = idx.shape[2]
    scratch = ([pltpu.VMEM((k, CHUNK), jnp.int32)] * 4
               + [pltpu.VMEM((NBUF, CHUNK, C), _f32),
                  pltpu.VMEM_SHARED((NROWS_PAD, C), _f32),
                  pltpu.VMEM_SHARED((NROWS_PAD, C), _f32)]
               + [pltpu.SemaphoreType.DMA] * (2 * NBUF))
    kern = functools.partial(
        pl.kernel,
        out_type=jax.ShapeDtypeStruct((NC, NROWS_PAD, C), _f32),
        mesh=plsc.VectorSubcoreMesh(**_MESH),
        scratch_types=scratch,
        compiler_params=pltpu.CompilerParams(use_tc_tiling_on_sc=False),
    )(functools.partial(_segsum2_body, k))
    return kern(table_a, table_p, idx, zeros)


def _sc_pass2(parts, idx, ident, zeros):
    k = idx.shape[2]
    scratch = ([pltpu.VMEM((k, CHUNK), jnp.int32)] * 2
               + [pltpu.VMEM((NQ, CHUNK), jnp.int32),
                  pltpu.VMEM((NBUF2, CHUNK, C), _f32),
                  pltpu.VMEM_SHARED((NROWS_PAD, C), _f32),
                  pltpu.VMEM_SHARED((NROWS_PAD, C), _f32)]
               + [pltpu.SemaphoreType.DMA] * (2 * NBUF2 + 1))
    kern = functools.partial(
        pl.kernel,
        out_type=(jax.ShapeDtypeStruct((NC, NROWS_PAD, C), _f32),
                  jax.ShapeDtypeStruct((NROWS_PAD, C), _f32)),
        mesh=plsc.VectorSubcoreMesh(**_MESH),
        scratch_types=scratch,
        compiler_params=pltpu.CompilerParams(use_tc_tiling_on_sc=False),
    )(functools.partial(_segsum_final_body, k))
    return kern(parts, idx, ident, zeros)



_CBLK = 1000


def _final_body(p_ref, mw_ref, q_ref, b_ref, o_ref):
    o_ref[...] = ((ALPHA * ALPHA) * p_ref[...] + (2.0 * ALPHA) * mw_ref[...]
                  + q_ref[0] + q_ref[1] + b_ref[0])


def _final_combine(p, mw, q_parts, b_out):
    return pl.pallas_call(
        _final_body,
        grid=(N_PAPER // _CBLK,),
        in_specs=[
            pl.BlockSpec((_CBLK, C), lambda i: (i, 0)),
            pl.BlockSpec((_CBLK, C), lambda i: (i, 0)),
            pl.BlockSpec((NC, _CBLK, C), lambda i: (0, i, 0)),
            pl.BlockSpec((1, C), lambda i: (0, 0)),
        ],
        out_specs=pl.BlockSpec((_CBLK, C), lambda i: (i, 0)),
        out_shape=jax.ShapeDtypeStruct((N_PAPER, C), _f32),
    )(p, mw, q_parts, b_out.reshape(1, C))




def _pad_flat(v, fill_ramp):
    n = v.shape[0]
    per = NBUF * NW * CHUNK
    n_pad = -(-n // per) * per
    if fill_ramp:
        pad = DUMP + (jnp.arange(n_pad - n, dtype=jnp.int32)
                      % (NROWS_PAD - N_PAPER))
        return jnp.concatenate([v, pad])
    return jnp.pad(v, (0, n_pad - n))


def kernel(x_paper, x_author, edge_index_writes, edge_index_cites,
           W_paper, b_paper, W_author, b_author, W_out, b_out):
    p = _dense_project(x_paper, W_paper, b_paper, W_out)
    a = _dense_project(x_author, W_author, b_author, W_out)

    ei_w = edge_index_writes.astype(jnp.int32)
    ei_c = edge_index_cites.astype(jnp.int32)
    idx = jnp.stack([
        _pad_flat(ei_w[0], False), _pad_flat(ei_w[1], True),
        _pad_flat(ei_c[0], False), _pad_flat(ei_c[1], True),
    ])
    k = idx.shape[1] // (NW * CHUNK)
    idx = idx.reshape(4, NW, k, CHUNK)

    zeros = jnp.zeros((NROWS_PAD, C), _f32)
    s_col = jnp.arange(NS, dtype=jnp.int32)[:, None]
    x_row = jnp.arange(NQ * CHUNK, dtype=jnp.int32)[None, :]
    ident = jnp.where(
        x_row < ZSTRIPE, s_col * ZSTRIPE + x_row,
        N_PAPER + (s_col * (NQ * CHUNK - ZSTRIPE) + (x_row - ZSTRIPE))
        % (NROWS_PAD - N_PAPER)).reshape(NS, NQ, CHUNK)

    mw_parts = _sc_pass1(a, p, idx, zeros)
    q_parts, mw = _sc_pass2(mw_parts, idx, ident, zeros)
    return _final_combine(p, mw, q_parts, b_out)

# --- scband reference (transcript-rebuilt; emitter-appended) ---
"""Pipeline reference for scband-hetero-sgc-7318624272993 (READ-ONLY COPY).

The authoritative reference and input builder live on the scoring server;
editing this copy changes nothing except your own understanding.
"""

import jax, jax.numpy as jnp
import numpy as np

N_PAPER = 10000
N_AUTHOR = 10000
D = 256
H = 256
C = 64
E = 160000
NUM_LAYERS = 2
ALPHA = 0.01

def _uniform(key, shape, fan_in):
    bound = 1.0 / np.sqrt(fan_in)
    return jax.random.uniform(key, shape, minval=-bound, maxval=bound, dtype=jnp.float32)

def setup_inputs(seed: int = 0) -> dict:
    key = jax.random.key(seed)
    ks = jax.random.split(key, 12)
    x_paper = jax.random.normal(ks[0], (N_PAPER, D), dtype=jnp.float32)
    x_author = jax.random.normal(ks[1], (N_AUTHOR, D), dtype=jnp.float32)
    edge_index_writes = jax.random.randint(ks[2], (2, E), 0, N_PAPER, dtype=jnp.int64) if jax.config.jax_enable_x64 else jax.random.randint(ks[2], (2, E), 0, N_PAPER).astype(jnp.int32)
    edge_index_cites = jax.random.randint(ks[3], (2, E), 0, N_PAPER).astype(edge_index_writes.dtype)
    W_paper = _uniform(ks[4], (D, H), D)
    b_paper = _uniform(ks[5], (H,), D)
    W_author = _uniform(ks[6], (D, H), D)
    b_author = _uniform(ks[7], (H,), D)
    W_out = _uniform(ks[8], (H, C), H)
    b_out = _uniform(ks[9], (C,), H)
    return {"x_paper": x_paper, "x_author": x_author,
            "edge_index_writes": edge_index_writes, "edge_index_cites": edge_index_cites,
            "W_paper": W_paper, "b_paper": b_paper,
            "W_author": W_author, "b_author": b_author,
            "W_out": W_out, "b_out": b_out}

def reference(x_paper, x_author, edge_index_writes, edge_index_cites,
              W_paper, b_paper, W_author, b_author, W_out, b_out):
    # per-node-type input linear + relu (num_lins=1)
    h_paper = jax.nn.relu(x_paper @ W_paper + b_paper)
    h_author = jax.nn.relu(x_author @ W_author + b_author)
    # SGC-style propagation: out[dst] = alpha*h[dst] + sum over edge types of adj_t @ h[src]
    for _ in range(NUM_LAYERS):
        # edge type (author, writes, paper): messages from author src -> paper dst
        msg_writes = jnp.take(h_author, edge_index_writes[0], axis=0)
        agg_writes = jax.ops.segment_sum(msg_writes, edge_index_writes[1], num_segments=N_PAPER)
        # edge type (paper, cites, paper): messages from paper src -> paper dst
        msg_cites = jnp.take(h_paper, edge_index_cites[0], axis=0)
        agg_cites = jax.ops.segment_sum(msg_cites, edge_index_cites[1], num_segments=N_PAPER)
        new_paper = ALPHA * h_paper + agg_writes + agg_cites
        new_author = ALPHA * h_author  # author has no incoming edge types
        h_paper, h_author = new_paper, new_author
    # output linear on target node type (paper)
    target_logits = h_paper @ W_out + b_out
    return target_logits

if __name__ == "__main__":
    import jax
    _d = setup_inputs()
    print(jax.jit(kernel)(*tuple(_d.values())))

</pallas_src>

<mosaic_0001>
#map = affine_map<(d0, d1) -> (0, 0)>
#map1 = affine_map<(d0, d1) -> (0, 0, 0, 0)>
#map2 = affine_map<(d0, d1) -> (0, 0, 0)>
module attributes {stable_mosaic.version = 14 : i64} {
  func.func @_segsum2_body(%arg0: i32, %arg1: i32, %arg2: memref<10112x64xf32, #tpu.memory_space<hbm>>, %arg3: memref<10112x64xf32, #tpu.memory_space<hbm>>, %arg4: memref<4x32x40x128xi32, #tpu.memory_space<hbm>>, %arg5: memref<10112x64xf32, #tpu.memory_space<hbm>>, %arg6: memref<2x10112x64xf32, #tpu.memory_space<hbm>>, %arg7: memref<40x128xi32, #tpu.memory_space<vmem>>, %arg8: memref<40x128xi32, #tpu.memory_space<vmem>>, %arg9: memref<40x128xi32, #tpu.memory_space<vmem>>, %arg10: memref<40x128xi32, #tpu.memory_space<vmem>>, %arg11: memref<2x128x64xf32, #tpu.memory_space<vmem>>, %arg12: memref<10112x64xf32, #tpu.memory_space<vmem_shared>>, %arg13: memref<10112x64xf32, #tpu.memory_space<vmem_shared>>, %arg14: memref<!tpu.dma_semaphore, #tpu.memory_space<semaphore_mem>>, %arg15: memref<!tpu.dma_semaphore, #tpu.memory_space<semaphore_mem>>, %arg16: memref<!tpu.dma_semaphore, #tpu.memory_space<semaphore_mem>>, %arg17: memref<!tpu.dma_semaphore, #tpu.memory_space<semaphore_mem>>) attributes {dimension_semantics = [#tpu.dimension_semantics<core_parallel>, #tpu.dimension_semantics<subcore_parallel>], iteration_bounds = array<i64: 2, 16>, scalar_prefetch = 0 : i64, scratch_operands = 11 : i64, tpu.core_type = #tpu.core_type<sc_vector_subcore>, window_params = [{transform_indices = #map}, {transform_indices = #map}, {transform_indices = #map1}, {transform_indices = #map}, {transform_indices = #map2}]} {
    %mul3A = arith.constant 16 : i32
    %mul3A_0 = arith.muli %arg0, %mul3A : i32
    %add3A = arith.addi %mul3A_0, %arg1 : i32
    %mul3A_1 = arith.constant 632 : i32
    %mul3A_2 = arith.muli %arg1, %mul3A_1 : i32
    %dma_start3A = arith.constant 0 : i32
    %dma_start3A_3 = tpu.memref_slice %arg12[%mul3A_2, %dma_start3A] : memref<10112x64xf32, #tpu.memory_space<vmem_shared>> -> memref<632x64xf32, #tpu.memory_space<vmem_shared>>
    %dma_start3A_4 = arith.constant 0 : i32
    %dma_start3A_5 = tpu.memref_slice %arg5[%mul3A_2, %dma_start3A_4] : memref<10112x64xf32, #tpu.memory_space<hbm>> -> memref<632x64xf32, #tpu.memory_space<hbm>>
    tpu.enqueue_dma source(%dma_start3A_5 : memref<632x64xf32, #tpu.memory_space<hbm>>) target(%dma_start3A_3 : memref<632x64xf32, #tpu.memory_space<vmem_shared>>) target_semaphore(%arg14 : memref<!tpu.dma_semaphore, #tpu.memory_space<semaphore_mem>>)
    %dma_start3A_6 = arith.constant 0 : i32
    %dma_start3A_7 = tpu.memref_slice %arg13[%mul3A_2, %dma_start3A_6] : memref<10112x64xf32, #tpu.memory_space<vmem_shared>> -> memref<632x64xf32, #tpu.memory_space<vmem_shared>>
    %dma_start3A_8 = arith.constant 0 : i32
    %dma_start3A_9 = tpu.memref_slice %arg2[%mul3A_2, %dma_start3A_8] : memref<10112x64xf32, #tpu.memory_space<hbm>> -> memref<632x64xf32, #tpu.memory_space<hbm>>
    tpu.enqueue_dma source(%dma_start3A_9 : memref<632x64xf32, #tpu.memory_space<hbm>>) target(%dma_start3A_7 : memref<632x64xf32, #tpu.memory_space<vmem_shared>>) target_semaphore(%arg15 : memref<!tpu.dma_semaphore, #tpu.memory_space<semaphore_mem>>)
    %dma_start3A_10 = arith.constant 0 : i32
    %dma_start3A_11 = arith.constant 0 : i32
    %dma_start3A_12 = arith.constant 0 : i32
    %dma_start3A_13 = tpu.memref_slice %arg4[%dma_start3A_10, %add3A, %dma_start3A_11, %dma_start3A_12] : memref<4x32x40x128xi32, #tpu.memory_space<hbm>> -> memref<1x1x40x128xi32, #tpu.memory_space<hbm>>
    %dma_start3A_14 = tpu.memref_squeeze %dma_start3A_13 : memref<1x1x40x128xi32, #tpu.memory_space<hbm>> -> memref<40x128xi32, #tpu.memory_space<hbm>>
    %dma_start3A_15 = arith.constant 0 : i32
    %dma_start3A_16 = arith.constant 0 : i32
    %dma_start3A_17 = tpu.memref_slice %arg4[%dma_start3A_10, %add3A, %dma_start3A_15, %dma_start3A_16] : memref<4x32x40x128xi32, #tpu.memory_space<hbm>> -> memref<1x1x40x128xi32, #tpu.memory_space<hbm>>
    %dma_start3A_18 = tpu.memref_squeeze %dma_start3A_17 : memref<1x1x40x128xi32, #tpu.memory_space<hbm>> -> memref<40x128xi32, #tpu.memory_space<hbm>>
    tpu.enqueue_dma source(%dma_start3A_18 : memref<40x128xi32, #tpu.memory_space<hbm>>) target(%arg7 : memref<40x128xi32, #tpu.memory_space<vmem>>) target_semaphore(%arg16 : memref<!tpu.dma_semaphore, #tpu.memory_space<semaphore_mem>>)
    %dma_start3A_19 = arith.constant 1 : i32
    %dma_start3A_20 = arith.constant 0 : i32
    %dma_start3A_21 = arith.constant 0 : i32
    %dma_start3A_22 = tpu.memref_slice %arg4[%dma_start3A_19, %add3A, %dma_start3A_20, %dma_start3A_21] : memref<4x32x40x128xi32, #tpu.memory_space<hbm>> -> memref<1x1x40x128xi32, #tpu.memory_space<hbm>>
    %dma_start3A_23 = tpu.memref_squeeze %dma_start3A_22 : memref<1x1x40x128xi32, #tpu.memory_space<hbm>> -> memref<40x128xi32, #tpu.memory_space<hbm>>
    %dma_start3A_24 = arith.constant 0 : i32
    %dma_start3A_25 = arith.constant 0 : i32
    %dma_start3A_26 = tpu.memref_slice %arg4[%dma_start3A_19, %add3A, %dma_start3A_24, %dma_start3A_25] : memref<4x32x40x128xi32, #tpu.memory_space<hbm>> -> memref<1x1x40x128xi32, #tpu.memory_space<hbm>>
    %dma_start3A_27 = tpu.memref_squeeze %dma_start3A_26 : memref<1x1x40x128xi32, #tpu.memory_space<hbm>> -> memref<40x128xi32, #tpu.memory_space<hbm>>
    tpu.enqueue_dma source(%dma_start3A_27 : memref<40x128xi32, #tpu.memory_space<hbm>>) target(%arg8 : memref<40x128xi32, #tpu.memory_space<vmem>>) target_semaphore(%arg17 : memref<!tpu.dma_semaphore, #tpu.memory_space<semaphore_mem>>)
    %dma_start3A_28 = arith.constant 2 : i32
    %dma_start3A_29 = arith.constant 0 : i32
    %dma_start3A_30 = arith.constant 0 : i32
    %dma_start3A_31 = tpu.memref_slice %arg4[%dma_start3A_28, %add3A, %dma_start3A_29, %dma_start3A_30] : memref<4x32x40x128xi32, #tpu.memory_space<hbm>> -> memref<1x1x40x128xi32, #tpu.memory_space<hbm>>
    %dma_start3A_32 = tpu.memref_squeeze %dma_start3A_31 : memref<1x1x40x128xi32, #tpu.memory_space<hbm>> -> memref<40x128xi32, #tpu.memory_space<hbm>>
    %dma_start3A_33 = arith.constant 0 : i32
    %dma_start3A_34 = arith.constant 0 : i32
    %dma_start3A_35 = tpu.memref_slice %arg4[%dma_start3A_28, %add3A, %dma_start3A_33, %dma_start3A_34] : memref<4x32x40x128xi32, #tpu.memory_space<hbm>> -> memref<1x1x40x128xi32, #tpu.memory_space<hbm>>
    %dma_start3A_36 = tpu.memref_squeeze %dma_start3A_35 : memref<1x1x40x128xi32, #tpu.memory_space<hbm>> -> memref<40x128xi32, #tpu.memory_space<hbm>>
    tpu.enqueue_dma source(%dma_start3A_36 : memref<40x128xi32, #tpu.memory_space<hbm>>) target(%arg9 : memref<40x128xi32, #tpu.memory_space<vmem>>) target_semaphore(%arg14 : memref<!tpu.dma_semaphore, #tpu.memory_space<semaphore_mem>>)
    %dma_start3A_37 = arith.constant 3 : i32
    %dma_start3A_38 = arith.constant 0 : i32
    %dma_start3A_39 = arith.constant 0 : i32
    %dma_start3A_40 = tpu.memref_slice %arg4[%dma_start3A_37, %add3A, %dma_start3A_38, %dma_start3A_39] : memref<4x32x40x128xi32, #tpu.memory_space<hbm>> -> memref<1x1x40x128xi32, #tpu.memory_space<hbm>>
    %dma_start3A_41 = tpu.memref_squeeze %dma_start3A_40 : memref<1x1x40x128xi32, #tpu.memory_space<hbm>> -> memref<40x128xi32, #tpu.memory_space<hbm>>
    %dma_start3A_42 = arith.constant 0 : i32
    %dma_start3A_43 = arith.constant 0 : i32
    %dma_start3A_44 = tpu.memref_slice %arg4[%dma_start3A_37, %add3A, %dma_start3A_42, %dma_start3A_43] : memref<4x32x40x128xi32, #tpu.memory_space<hbm>> -> memref<1x1x40x128xi32, #tpu.memory_space<hbm>>
    %dma_start3A_45 = tpu.memref_squeeze %dma_start3A_44 : memref<1x1x40x128xi32, #tpu.memory_space<hbm>> -> memref<40x128xi32, #tpu.memory_space<hbm>>
    tpu.enqueue_dma source(%dma_start3A_45 : memref<40x128xi32, #tpu.memory_space<hbm>>) target(%arg10 : memref<40x128xi32, #tpu.memory_space<vmem>>) target_semaphore(%arg15 : memref<!tpu.dma_semaphore, #tpu.memory_space<semaphore_mem>>)
    %dma_wait3A = arith.constant 0 : i32
    %dma_wait3A_46 = tpu.memref_slice %arg12[%mul3A_2, %dma_wait3A] : memref<10112x64xf32, #tpu.memory_space<vmem_shared>> -> memref<632x64xf32, #tpu.memory_space<vmem_shared>>
    %dma_wait3A_47 = arith.constant 0 : i32
    %dma_wait3A_48 = tpu.memref_slice %arg5[%mul3A_2, %dma_wait3A_47] : memref<10112x64xf32, #tpu.memory_space<hbm>> -> memref<632x64xf32, #tpu.memory_space<hbm>>
    tpu.wait_dma2 semaphore(%arg14 : memref<!tpu.dma_semaphore, #tpu.memory_space<semaphore_mem>>) src(%dma_wait3A_48 : memref<632x64xf32, #tpu.memory_space<hbm>>) dst(%dma_wait3A_46 : memref<632x64xf32, #tpu.memory_space<vmem_shared>>)
    %dma_wait3A_49 = arith.constant 0 : i32
    %dma_wait3A_50 = tpu.memref_slice %arg13[%mul3A_2, %dma_wait3A_49] : memref<10112x64xf32, #tpu.memory_space<vmem_shared>> -> memref<632x64xf32, #tpu.memory_space<vmem_shared>>
    %dma_wait3A_51 = arith.constant 0 : i32
    %dma_wait3A_52 = tpu.memref_slice %arg2[%mul3A_2, %dma_wait3A_51] : memref<10112x64xf32, #tpu.memory_space<hbm>> -> memref<632x64xf32, #tpu.memory_space<hbm>>
    tpu.wait_dma2 semaphore(%arg15 : memref<!tpu.dma_semaphore, #tpu.memory_space<semaphore_mem>>) src(%dma_wait3A_52 : memref<632x64xf32, #tpu.memory_space<hbm>>) dst(%dma_wait3A_50 : memref<632x64xf32, #tpu.memory_space<vmem_shared>>)
    %dma_wait3A_53 = arith.constant 0 : i32
    %dma_wait3A_54 = arith.constant 0 : i32
    %dma_wait3A_55 = arith.constant 0 : i32
    %dma_wait3A_56 = tpu.memref_slice %arg4[%dma_wait3A_53, %add3A, %dma_wait3A_54, %dma_wait3A_55] : memref<4x32x40x128xi32, #tpu.memory_space<hbm>> -> memref<1x1x40x128xi32, #tpu.memory_space<hbm>>
    %dma_wait3A_57 = tpu.memref_squeeze %dma_wait3A_56 : memref<1x1x40x128xi32, #tpu.memory_space<hbm>> -> memref<40x128xi32, #tpu.memory_space<hbm>>
    %dma_wait3A_58 = arith.constant 0 : i32
    %dma_wait3A_59 = arith.constant 0 : i32
    %dma_wait3A_60 = tpu.memref_slice %arg4[%dma_wait3A_53, %add3A, %dma_wait3A_58, %dma_wait3A_59] : memref<4x32x40x128xi32, #tpu.memory_space<hbm>> -> memref<1x1x40x128xi32, #tpu.memory_space<hbm>>
    %dma_wait3A_61 = tpu.memref_squeeze %dma_wait3A_60 : memref<1x1x40x128xi32, #tpu.memory_space<hbm>> -> memref<40x128xi32, #tpu.memory_space<hbm>>
    tpu.wait_dma2 semaphore(%arg16 : memref<!tpu.dma_semaphore, #tpu.memory_space<semaphore_mem>>) src(%dma_wait3A_61 : memref<40x128xi32, #tpu.memory_space<hbm>>) dst(%arg7 : memref<40x128xi32, #tpu.memory_space<vmem>>)
    %dma_wait3A_62 = arith.constant 1 : i32
    %dma_wait3A_63 = arith.constant 0 : i32
    %dma_wait3A_64 = arith.constant 0 : i32
    %dma_wait3A_65 = tpu.memref_slice %arg4[%dma_wait3A_62, %add3A, %dma_wait3A_63, %dma_wait3A_64] : memref<4x32x40x128xi32, #tpu.memory_space<hbm>> -> memref<1x1x40x128xi32, #tpu.memory_space<hbm>>
    %dma_wait3A_66 = tpu.memref_squeeze %dma_wait3A_65 : memref<1x1x40x128xi32, #tpu.memory_space<hbm>> -> memref<40x128xi32, #tpu.memory_space<hbm>>
    %dma_wait3A_67 = arith.constant 0 : i32
    %dma_wait3A_68 = arith.constant 0 : i32
    %dma_wait3A_69 = tpu.memref_slice %arg4[%dma_wait3A_62, %add3A, %dma_wait3A_67, %dma_wait3A_68] : memref<4x32x40x128xi32, #tpu.memory_space<hbm>> -> memref<1x1x40x128xi32, #tpu.memory_space<hbm>>
    %dma_wait3A_70 = tpu.memref_squeeze %dma_wait3A_69 : memref<1x1x40x128xi32, #tpu.memory_space<hbm>> -> memref<40x128xi32, #tpu.memory_space<hbm>>
    tpu.wait_dma2 semaphore(%arg17 : memref<!tpu.dma_semaphore, #tpu.memory_space<semaphore_mem>>) src(%dma_wait3A_70 : memref<40x128xi32, #tpu.memory_space<hbm>>) dst(%arg8 : memref<40x128xi32, #tpu.memory_space<vmem>>)
    %dma_wait3A_71 = arith.constant 2 : i32
    %dma_wait3A_72 = arith.constant 0 : i32
    %dma_wait3A_73 = arith.constant 0 : i32
    %dma_wait3A_74 = tpu.memref_slice %arg4[%dma_wait3A_71, %add3A, %dma_wait3A_72, %dma_wait3A_73] : memref<4x32x40x128xi32, #tpu.memory_space<hbm>> -> memref<1x1x40x128xi32, #tpu.memory_space<hbm>>
    %dma_wait3A_75 = tpu.memref_squeeze %dma_wait3A_74 : memref<1x1x40x128xi32, #tpu.memory_space<hbm>> -> memref<40x128xi32, #tpu.memory_space<hbm>>
    %dma_wait3A_76 = arith.constant 0 : i32
    %dma_wait3A_77 = arith.constant 0 : i32
    %dma_wait3A_78 = tpu.memref_slice %arg4[%dma_wait3A_71, %add3A, %dma_wait3A_76, %dma_wait3A_77] : memref<4x32x40x128xi32, #tpu.memory_space<hbm>> -> memref<1x1x40x128xi32, #tpu.memory_space<hbm>>
    %dma_wait3A_79 = tpu.memref_squeeze %dma_wait3A_78 : memref<1x1x40x128xi32, #tpu.memory_space<hbm>> -> memref<40x128xi32, #tpu.memory_space<hbm>>
    tpu.wait_dma2 semaphore(%arg14 : memref<!tpu.dma_semaphore, #tpu.memory_space<semaphore_mem>>) src(%dma_wait3A_79 : memref<40x128xi32, #tpu.memory_space<hbm>>) dst(%arg9 : memref<40x128xi32, #tpu.memory_space<vmem>>)
    %dma_wait3A_80 = arith.constant 3 : i32
    %dma_wait3A_81 = arith.constant 0 : i32
    %dma_wait3A_82 = arith.constant 0 : i32
    %dma_wait3A_83 = tpu.memref_slice %arg4[%dma_wait3A_80, %add3A, %dma_wait3A_81, %dma_wait3A_82] : memref<4x32x40x128xi32, #tpu.memory_space<hbm>> -> memref<1x1x40x128xi32, #tpu.memory_space<hbm>>
    %dma_wait3A_84 = tpu.memref_squeeze %dma_wait3A_83 : memref<1x1x40x128xi32, #tpu.memory_space<hbm>> -> memref<40x128xi32, #tpu.memory_space<hbm>>
    %dma_wait3A_85 = arith.constant 0 : i32
    %dma_wait3A_86 = arith.constant 0 : i32
    %dma_wait3A_87 = tpu.memref_slice %arg4[%dma_wait3A_80, %add3A, %dma_wait3A_85, %dma_wait3A_86] : memref<4x32x40x128xi32, #tpu.memory_space<hbm>> -> memref<1x1x40x128xi32, #tpu.memory_space<hbm>>
    %dma_wait3A_88 = tpu.memref_squeeze %dma_wait3A_87 : memref<1x1x40x128xi32, #tpu.memory_space<hbm>> -> memref<40x128xi32, #tpu.memory_space<hbm>>
    tpu.wait_dma2 semaphore(%arg15 : memref<!tpu.dma_semaphore, #tpu.memory_space<semaphore_mem>>) src(%dma_wait3A_88 : memref<40x128xi32, #tpu.memory_space<hbm>>) dst(%arg10 : memref<40x128xi32, #tpu.memory_space<vmem>>)
    %barrier3A = arith.constant 0 : index
    tpu.barrier barrier_id(%barrier3A)
    %dma_start3A_89 = arith.constant 0 : i32
    %dma_start3A_90 = arith.constant 0 : i32
    %dma_start3A_91 = arith.constant 0 : i32
    %dma_start3A_92 = arith.constant 0 : i32
    %dma_start3A_93 = tpu.memref_slice %arg11[%dma_start3A_90, %dma_start3A_91, %dma_start3A_92] : memref<2x128x64xf32, #tpu.memory_space<vmem>> -> memref<1x128x64xf32, #tpu.memory_space<vmem>>
    %dma_start3A_94 = tpu.memref_squeeze %dma_start3A_93 : memref<1x128x64xf32, #tpu.memory_space<vmem>> -> memref<128x64xf32, #tpu.memory_space<vmem>>
    %dma_start3A_95 = arith.constant 0 : i32
    %dma_start3A_96 = tpu.memref_slice %arg7[%dma_start3A_89, %dma_start3A_95] : memref<40x128xi32, #tpu.memory_space<vmem>> -> memref<1x128xi32, #tpu.memory_space<vmem>>
    %dma_start3A_97 = tpu.memref_squeeze %dma_start3A_96 : memref<1x128xi32, #tpu.memory_space<vmem>> -> memref<128xi32, #tpu.memory_space<vmem>>
    %dma_start3A_98 = arith.constant 0 : i32
    %dma_start3A_99 = arith.constant 0 : i32
    %dma_start3A_100 = tpu.memref_slice %arg13[%dma_start3A_98, %dma_start3A_99] : memref<10112x64xf32, #tpu.memory_space<vmem_shared>> -> memref<10112x64xf32, #tpu.memory_space<vmem_shared>>
    tpu.enqueue_indirect_dma source(%dma_start3A_100 : memref<10112x64xf32, #tpu.memory_space<vmem_shared>>) target(%dma_start3A_94 : memref<128x64xf32, #tpu.memory_space<vmem>>) offsets(%dma_start3A_97 : memref<128xi32, #tpu.memory_space<vmem>>) semaphore(%arg14 : memref<!tpu.dma_semaphore, #tpu.memory_space<semaphore_mem>>)
    %dma_start3A_101 = arith.constant 1 : i32
    %dma_start3A_102 = arith.constant 1 : i32
    %dma_start3A_103 = arith.constant 0 : i32
    %dma_start3A_104 = arith.constant 0 : i32
    %dma_start3A_105 = tpu.memref_slice %arg11[%dma_start3A_102, %dma_start3A_103, %dma_start3A_104] : memref<2x128x64xf32, #tpu.memory_space<vmem>> -> memref<1x128x64xf32, #tpu.memory_space<vmem>>
    %dma_start3A_106 = tpu.memref_squeeze %dma_start3A_105 : memref<1x128x64xf32, #tpu.memory_space<vmem>> -> memref<128x64xf32, #tpu.memory_space<vmem>>
    %dma_start3A_107 = arith.constant 0 : i32
    %dma_start3A_108 = tpu.memref_slice %arg7[%dma_start3A_101, %dma_start3A_107] : memref<40x128xi32, #tpu.memory_space<vmem>> -> memref<1x128xi32, #tpu.memory_space<vmem>>
    %dma_start3A_109 = tpu.memref_squeeze %dma_start3A_108 : memref<1x128xi32, #tpu.memory_space<vmem>> -> memref<128xi32, #tpu.memory_space<vmem>>
    %dma_start3A_110 = arith.constant 0 : i32
    %dma_start3A_111 = arith.constant 0 : i32
    %dma_start3A_112 = tpu.memref_slice %arg13[%dma_start3A_110, %dma_start3A_111] : memref<10112x64xf32, #tpu.memory_space<vmem_shared>> -> memref<10112x64xf32, #tpu.memory_space<vmem_shared>>
    tpu.enqueue_indirect_dma source(%dma_start3A_112 : memref<10112x64xf32, #tpu.memory_space<vmem_shared>>) target(%dma_start3A_106 : memref<128x64xf32, #tpu.memory_space<vmem>>) offsets(%dma_start3A_109 : memref<128xi32, #tpu.memory_space<vmem>>) semaphore(%arg15 : memref<!tpu.dma_semaphore, #tpu.memory_space<semaphore_mem>>)
    %scan3A = arith.constant 0 : i32
    %scan3A_113 = arith.constant 0 : i32
    %scan3A_114 = arith.constant 20 : i32
    %scan3A_115 = arith.addi %scan3A_113, %scan3A_114 : i32
    %scan3A_116 = arith.constant 1 : i32
    scf.for %scan3A_151 = %scan3A_113 to %scan3A_115 step %scan3A_116  : i32 {
      %mul3A_152 = arith.constant 2 : i32
      %mul3A_153 = arith.muli %scan3A_151, %mul3A_152 : i32
      %add3A_154 = arith.constant 0 : i32
      %add3A_155 = arith.addi %mul3A_153, %add3A_154 : i32
      %dma_wait3A_156 = arith.constant 0 : i32
      %dma_wait3A_157 = arith.constant 0 : i32
      %dma_wait3A_158 = arith.constant 0 : i32
      %dma_wait3A_159 = tpu.memref_slice %arg11[%dma_wait3A_156, %dma_wait3A_157, %dma_wait3A_158] : memref<2x128x64xf32, #tpu.memory_space<vmem>> -> memref<1x128x64xf32, #tpu.memory_space<vmem>>
      %dma_wait3A_160 = tpu.memref_squeeze %dma_wait3A_159 : memref<1x128x64xf32, #tpu.memory_space<vmem>> -> memref<128x64xf32, #tpu.memory_space<vmem>>
      %dma_wait3A_161 = arith.constant 0 : i32
      %dma_wait3A_162 = tpu.memref_slice %arg7[%add3A_155, %dma_wait3A_161] : memref<40x128xi32, #tpu.memory_space<vmem>> -> memref<1x128xi32, #tpu.memory_space<vmem>>
      %dma_wait3A_163 = tpu.memref_squeeze %dma_wait3A_162 : memref<1x128xi32, #tpu.memory_space<vmem>> -> memref<128xi32, #tpu.memory_space<vmem>>
      %dma_wait3A_164 = arith.constant 0 : i32
      %dma_wait3A_165 = arith.constant 0 : i32
      %dma_wait3A_166 = tpu.memref_slice %arg13[%dma_wait3A_164, %dma_wait3A_165] : memref<10112x64xf32, #tpu.memory_space<vmem_shared>> -> memref<10112x64xf32, #tpu.memory_space<vmem_shared>>
      tpu.wait_indirect_dma semaphore(%arg14 : memref<!tpu.dma_semaphore, #tpu.memory_space<semaphore_mem>>) src(%dma_wait3A_166 : memref<10112x64xf32, #tpu.memory_space<vmem_shared>>) dst(%dma_wait3A_160 : memref<128x64xf32, #tpu.memory_space<vmem>>)
      %dma_start3A_167 = arith.constant 0 : i32
      %dma_start3A_168 = arith.constant 0 : i32
      %dma_start3A_169 = arith.constant 0 : i32
      %dma_start3A_170 = tpu.memref_slice %arg11[%dma_start3A_167, %dma_start3A_168, %dma_start3A_169] : memref<2x128x64xf32, #tpu.memory_space<vmem>> -> memref<1x128x64xf32, #tpu.memory_space<vmem>>
      %dma_start3A_171 = tpu.memref_squeeze %dma_start3A_170 : memref<1x128x64xf32, #tpu.memory_space<vmem>> -> memref<128x64xf32, #tpu.memory_space<vmem>>
      %dma_start3A_172 = arith.constant 0 : i32
      %dma_start3A_173 = tpu.memref_slice %arg8[%add3A_155, %dma_start3A_172] : memref<40x128xi32, #tpu.memory_space<vmem>> -> memref<1x128xi32, #tpu.memory_space<vmem>>
      %dma_start3A_174 = tpu.memref_squeeze %dma_start3A_173 : memref<1x128xi32, #tpu.memory_space<vmem>> -> memref<128xi32, #tpu.memory_space<vmem>>
      %dma_start3A_175 = arith.constant 0 : i32
      %dma_start3A_176 = arith.constant 0 : i32
      %dma_start3A_177 = tpu.memref_slice %arg12[%dma_start3A_175, %dma_start3A_176] : memref<10112x64xf32, #tpu.memory_space<vmem_shared>> -> memref<10112x64xf32, #tpu.memory_space<vmem_shared>>
      tpu.enqueue_indirect_dma source(%dma_start3A_171 : memref<128x64xf32, #tpu.memory_space<vmem>>) target(%dma_start3A_177 : memref<10112x64xf32, #tpu.memory_space<vmem_shared>>) offsets(%dma_start3A_174 : memref<128xi32, #tpu.memory_space<vmem>>) semaphore(%arg16 : memref<!tpu.dma_semaphore, #tpu.memory_space<semaphore_mem>>) {add = true}
      %mul3A_178 = arith.constant 2 : i32
      %mul3A_179 = arith.muli %scan3A_151, %mul3A_178 : i32
      %add3A_180 = arith.constant 1 : i32
      %add3A_181 = arith.addi %mul3A_179, %add3A_180 : i32
      %dma_wait3A_182 = arith.constant 1 : i32
      %dma_wait3A_183 = arith.constant 0 : i32
      %dma_wait3A_184 = arith.constant 0 : i32
      %dma_wait3A_185 = tpu.memref_slice %arg11[%dma_wait3A_182, %dma_wait3A_183, %dma_wait3A_184] : memref<2x128x64xf32, #tpu.memory_space<vmem>> -> memref<1x128x64xf32, #tpu.memory_space<vmem>>
      %dma_wait3A_186 = tpu.memref_squeeze %dma_wait3A_185 : memref<1x128x64xf32, #tpu.memory_space<vmem>> -> memref<128x64xf32, #tpu.memory_space<vmem>>
      %dma_wait3A_187 = arith.constant 0 : i32
      %dma_wait3A_188 = tpu.memref_slice %arg7[%add3A_181, %dma_wait3A_187] : memref<40x128xi32, #tpu.memory_space<vmem>> -> memref<1x128xi32, #tpu.memory_space<vmem>>
      %dma_wait3A_189 = tpu.memref_squeeze %dma_wait3A_188 : memref<1x128xi32, #tpu.memory_space<vmem>> -> memref<128xi32, #tpu.memory_space<vmem>>
      %dma_wait3A_190 = arith.constant 0 : i32
      %dma_wait3A_191 = arith.constant 0 : i32
      %dma_wait3A_192 = tpu.memref_slice %arg13[%dma_wait3A_190, %dma_wait3A_191] : memref<10112x64xf32, #tpu.memory_space<vmem_shared>> -> memref<10112x64xf32, #tpu.memory_space<vmem_shared>>
      tpu.wait_indirect_dma semaphore(%arg15 : memref<!tpu.dma_semaphore, #tpu.memory_space<semaphore_mem>>) src(%dma_wait3A_192 : memref<10112x64xf32, #tpu.memory_space<vmem_shared>>) dst(%dma_wait3A_186 : memref<128x64xf32, #tpu.memory_space<vmem>>)
      %dma_start3A_193 = arith.constant 1 : i32
      %dma_start3A_194 = arith.constant 0 : i32
      %dma_start3A_195 = arith.constant 0 : i32
      %dma_start3A_196 = tpu.memref_slice %arg11[%dma_start3A_193, %dma_start3A_194, %dma_start3A_195] : memref<2x128x64xf32, #tpu.memory_space<vmem>> -> memref<1x128x64xf32, #tpu.memory_space<vmem>>
      %dma_start3A_197 = tpu.memref_squeeze %dma_start3A_196 : memref<1x128x64xf32, #tpu.memory_space<vmem>> -> memref<128x64xf32, #tpu.memory_space<vmem>>
      %dma_start3A_198 = arith.constant 0 : i32
      %dma_start3A_199 = tpu.memref_slice %arg8[%add3A_181, %dma_start3A_198] : memref<40x128xi32, #tpu.memory_space<vmem>> -> memref<1x128xi32, #tpu.memory_space<vmem>>
      %dma_start3A_200 = tpu.memref_squeeze %dma_start3A_199 : memref<1x128xi32, #tpu.memory_space<vmem>> -> memref<128xi32, #tpu.memory_space<vmem>>
      %dma_start3A_201 = arith.constant 0 : i32
      %dma_start3A_202 = arith.constant 0 : i32
      %dma_start3A_203 = tpu.memref_slice %arg12[%dma_start3A_201, %dma_start3A_202] : memref<10112x64xf32, #tpu.memory_space<vmem_shared>> -> memref<10112x64xf32, #tpu.memory_space<vmem_shared>>
      tpu.enqueue_indirect_dma source(%dma_start3A_197 : memref<128x64xf32, #tpu.memory_space<vmem>>) target(%dma_start3A_203 : memref<10112x64xf32, #tpu.memory_space<vmem_shared>>) offsets(%dma_start3A_200 : memref<128xi32, #tpu.memory_space<vmem>>) semaphore(%arg17 : memref<!tpu.dma_semaphore, #tpu.memory_space<semaphore_mem>>) {add = true}
      %mul3A_204 = arith.constant 2 : i32
      %mul3A_205 = arith.muli %scan3A_151, %mul3A_204 : i32
      %add3A_206 = arith.constant 0 : i32
      %add3A_207 = arith.addi %mul3A_205, %add3A_206 : i32
      %dma_wait3A_208 = arith.constant 0 : i32
      %dma_wait3A_209 = arith.constant 0 : i32
      %dma_wait3A_210 = arith.constant 0 : i32
      %dma_wait3A_211 = tpu.memref_slice %arg11[%dma_wait3A_208, %dma_wait3A_209, %dma_wait3A_210] : memref<2x128x64xf32, #tpu.memory_space<vmem>> -> memref<1x128x64xf32, #tpu.memory_space<vmem>>
      %dma_wait3A_212 = tpu.memref_squeeze %dma_wait3A_211 : memref<1x128x64xf32, #tpu.memory_space<vmem>> -> memref<128x64xf32, #tpu.memory_space<vmem>>
      %dma_wait3A_213 = arith.constant 0 : i32
      %dma_wait3A_214 = tpu.memref_slice %arg8[%add3A_207, %dma_wait3A_213] : memref<40x128xi32, #tpu.memory_space<vmem>> -> memref<1x128xi32, #tpu.memory_space<vmem>>
      %dma_wait3A_215 = tpu.memref_squeeze %dma_wait3A_214 : memref<1x128xi32, #tpu.memory_space<vmem>> -> memref<128xi32, #tpu.memory_space<vmem>>
      %dma_wait3A_216 = arith.constant 0 : i32
      %dma_wait3A_217 = arith.constant 0 : i32
      %dma_wait3A_218 = tpu.memref_slice %arg12[%dma_wait3A_216, %dma_wait3A_217] : memref<10112x64xf32, #tpu.memory_space<vmem_shared>> -> memref<10112x64xf32, #tpu.memory_space<vmem_shared>>
      tpu.wait_indirect_dma semaphore(%arg16 : memref<!tpu.dma_semaphore, #tpu.memory_space<semaphore_mem>>) src(%dma_wait3A_212 : memref<128x64xf32, #tpu.memory_space<vmem>>) dst(%dma_wait3A_218 : memref<10112x64xf32, #tpu.memory_space<vmem_shared>>)
      %add3A_219 = arith.constant 2 : i32
      %add3A_220 = arith.addi %add3A_207, %add3A_219 : i32
      %lt3A = arith.constant 40 : i32
      %lt3A_221 = arith.cmpi slt, %add3A_220, %lt3A : i32
      %convert_element_type3A = arith.extui %lt3A_221 : i1 to i32
      %cond3A = arith.constant 0 : i32
      %cond3A_222 = arith.cmpi ne, %convert_element_type3A, %cond3A : i32
      scf.if %cond3A_222 {
        %add3A_245 = arith.constant 2 : i32
        %add3A_246 = arith.addi %add3A_207, %add3A_245 : i32
        %dma_start3A_247 = arith.constant 0 : i32
        %dma_start3A_248 = arith.constant 0 : i32
        %dma_start3A_249 = arith.constant 0 : i32
        %dma_start3A_250 = tpu.memref_slice %arg11[%dma_start3A_247, %dma_start3A_248, %dma_start3A_249] : memref<2x128x64xf32, #tpu.memory_space<vmem>> -> memref<1x128x64xf32, #tpu.memory_space<vmem>>
        %dma_start3A_251 = tpu.memref_squeeze %dma_start3A_250 : memref<1x128x64xf32, #tpu.memory_space<vmem>> -> memref<128x64xf32, #tpu.memory_space<vmem>>
        %dma_start3A_252 = arith.constant 0 : i32
        %dma_start3A_253 = tpu.memref_slice %arg7[%add3A_246, %dma_start3A_252] : memref<40x128xi32, #tpu.memory_space<vmem>> -> memref<1x128xi32, #tpu.memory_space<vmem>>
        %dma_start3A_254 = tpu.memref_squeeze %dma_start3A_253 : memref<1x128xi32, #tpu.memory_space<vmem>> -> memref<128xi32, #tpu.memory_space<vmem>>
        %dma_start3A_255 = arith.constant 0 : i32
        %dma_start3A_256 = arith.constant 0 : i32
        %dma_start3A_257 = tpu.memref_slice %arg13[%dma_start3A_255, %dma_start3A_256] : memref<10112x64xf32, #tpu.memory_space<vmem_shared>> -> memref<10112x64xf32, #tpu.memory_space<vmem_shared>>
        tpu.enqueue_indirect_dma source(%dma_start3A_257 : memref<10112x64xf32, #tpu.memory_space<vmem_shared>>) target(%dma_start3A_251 : memref<128x64xf32, #tpu.memory_space<vmem>>) offsets(%dma_start3A_254 : memref<128xi32, #tpu.memory_space<vmem>>) semaphore(%arg14 : memref<!tpu.dma_semaphore, #tpu.memory_space<semaphore_mem>>)
      } else {
      }
      %mul3A_223 = arith.constant 2 : i32
      %mul3A_224 = arith.muli %scan3A_151, %mul3A_223 : i32
      %add3A_225 = arith.constant 1 : i32
      %add3A_226 = arith.addi %mul3A_224, %add3A_225 : i32
      %dma_wait3A_227 = arith.constant 1 : i32
      %dma_wait3A_228 = arith.constant 0 : i32
      %dma_wait3A_229 = arith.constant 0 : i32
      %dma_wait3A_230 = tpu.memref_slice %arg11[%dma_wait3A_227, %dma_wait3A_228, %dma_wait3A_229] : memref<2x128x64xf32, #tpu.memory_space<vmem>> -> memref<1x128x64xf32, #tpu.memory_space<vmem>>
      %dma_wait3A_231 = tpu.memref_squeeze %dma_wait3A_230 : memref<1x128x64xf32, #tpu.memory_space<vmem>> -> memref<128x64xf32, #tpu.memory_space<vmem>>
      %dma_wait3A_232 = arith.constant 0 : i32
      %dma_wait3A_233 = tpu.memref_slice %arg8[%add3A_226, %dma_wait3A_232] : memref<40x128xi32, #tpu.memory_space<vmem>> -> memref<1x128xi32, #tpu.memory_space<vmem>>
      %dma_wait3A_234 = tpu.memref_squeeze %dma_wait3A_233 : memref<1x128xi32, #tpu.memory_space<vmem>> -> memref<128xi32, #tpu.memory_space<vmem>>
      %dma_wait3A_235 = arith.constant 0 : i32
      %dma_wait3A_236 = arith.constant 0 : i32
      %dma_wait3A_237 = tpu.memref_slice %arg12[%dma_wait3A_235, %dma_wait3A_236] : memref<10112x64xf32, #tpu.memory_space<vmem_shared>> -> memref<10112x64xf32, #tpu.memory_space<vmem_shared>>
      tpu.wait_indirect_dma semaphore(%arg17 : memref<!tpu.dma_semaphore, #tpu.memory_space<semaphore_mem>>) src(%dma_wait3A_231 : memref<128x64xf32, #tpu.memory_space<vmem>>) dst(%dma_wait3A_237 : memref<10112x64xf32, #tpu.memory_space<vmem_shared>>)
      %add3A_238 = arith.constant 2 : i32
      %add3A_239 = arith.addi %add3A_226, %add3A_238 : i32
      %lt3A_240 = arith.constant 40 : i32
      %lt3A_241 = arith.cmpi slt, %add3A_239, %lt3A_240 : i32
      %convert_element_type3A_242 = arith.extui %lt3A_241 : i1 to i32
      %cond3A_243 = arith.constant 0 : i32
      %cond3A_244 = arith.cmpi ne, %convert_element_type3A_242, %cond3A_243 : i32
      scf.if %cond3A_244 {
        %add3A_245 = arith.constant 2 : i32
        %add3A_246 = arith.addi %add3A_226, %add3A_245 : i32
        %dma_start3A_247 = arith.constant 1 : i32
        %dma_start3A_248 = arith.constant 0 : i32
        %dma_start3A_249 = arith.constant 0 : i32
        %dma_start3A_250 = tpu.memref_slice %arg11[%dma_start3A_247, %dma_start3A_248, %dma_start3A_249] : memref<2x128x64xf32, #tpu.memory_space<vmem>> -> memref<1x128x64xf32, #tpu.memory_space<vmem>>
        %dma_start3A_251 = tpu.memref_squeeze %dma_start3A_250 : memref<1x128x64xf32, #tpu.memory_space<vmem>> -> memref<128x64xf32, #tpu.memory_space<vmem>>
        %dma_start3A_252 = arith.constant 0 : i32
        %dma_start3A_253 = tpu.memref_slice %arg7[%add3A_246, %dma_start3A_252] : memref<40x128xi32, #tpu.memory_space<vmem>> -> memref<1x128xi32, #tpu.memory_space<vmem>>
        %dma_start3A_254 = tpu.memref_squeeze %dma_start3A_253 : memref<1x128xi32, #tpu.memory_space<vmem>> -> memref<128xi32, #tpu.memory_space<vmem>>
        %dma_start3A_255 = arith.constant 0 : i32
        %dma_start3A_256 = arith.constant 0 : i32
        %dma_start3A_257 = tpu.memref_slice %arg13[%dma_start3A_255, %dma_start3A_256] : memref<10112x64xf32, #tpu.memory_space<vmem_shared>> -> memref<10112x64xf32, #tpu.memory_space<vmem_shared>>
        tpu.enqueue_indirect_dma source(%dma_start3A_257 : memref<10112x64xf32, #tpu.memory_space<vmem_shared>>) target(%dma_start3A_251 : memref<128x64xf32, #tpu.memory_space<vmem>>) offsets(%dma_start3A_254 : memref<128xi32, #tpu.memory_space<vmem>>) semaphore(%arg15 : memref<!tpu.dma_semaphore, #tpu.memory_space<semaphore_mem>>)
      } else {
      }
    }
    %scan3A_117 = arith.constant 20 : i32
    %barrier3A_118 = arith.constant 0 : index
    tpu.barrier barrier_id(%barrier3A_118)
    "tpu.region"() ({
      %run_scoped3A = tpu.sem_alloc : memref<!tpu.dma_semaphore, #tpu.memory_space<semaphore_mem>>
      %dma_start3A_151 = arith.constant 0 : i32
      %dma_start3A_152 = tpu.memref_slice %arg13[%mul3A_2, %dma_start3A_151] : memref<10112x64xf32, #tpu.memory_space<vmem_shared>> -> memref<632x64xf32, #tpu.memory_space<vmem_shared>>
      %dma_start3A_153 = arith.constant 0 : i32
      %dma_start3A_154 = tpu.memref_slice %arg3[%mul3A_2, %dma_start3A_153] : memref<10112x64xf32, #tpu.memory_space<hbm>> -> memref<632x64xf32, #tpu.memory_space<hbm>>
      tpu.enqueue_dma source(%dma_start3A_154 : memref<632x64xf32, #tpu.memory_space<hbm>>) target(%dma_start3A_152 : memref<632x64xf32, #tpu.memory_space<vmem_shared>>) target_semaphore(%run_scoped3A : memref<!tpu.dma_semaphore, #tpu.memory_space<semaphore_mem>>)
      %dma_wait3A_155 = arith.constant 0 : i32
      %dma_wait3A_156 = tpu.memref_slice %arg13[%mul3A_2, %dma_wait3A_155] : memref<10112x64xf32, #tpu.memory_space<vmem_shared>> -> memref<632x64xf32, #tpu.memory_space<vmem_shared>>
      %dma_wait3A_157 = arith.constant 0 : i32
      %dma_wait3A_158 = tpu.memref_slice %arg3[%mul3A_2, %dma_wait3A_157] : memref<10112x64xf32, #tpu.memory_space<hbm>> -> memref<632x64xf32, #tpu.memory_space<hbm>>
      tpu.wait_dma2 semaphore(%run_scoped3A : memref<!tpu.dma_semaphore, #tpu.memory_space<semaphore_mem>>) src(%dma_wait3A_158 : memref<632x64xf32, #tpu.memory_space<hbm>>) dst(%dma_wait3A_156 : memref<632x64xf32, #tpu.memory_space<vmem_shared>>)
      tpu.yield
    }) : () -> ()
    %barrier3A_119 = arith.constant 0 : index
    tpu.barrier barrier_id(%barrier3A_119)
    %dma_start3A_120 = arith.constant 0 : i32
    %dma_start3A_121 = arith.constant 0 : i32
    %dma_start3A_122 = arith.constant 0 : i32
    %dma_start3A_123 = arith.constant 0 : i32
    %dma_start3A_124 = tpu.memref_slice %arg11[%dma_start3A_121, %dma_start3A_122, %dma_start3A_123] : memref<2x128x64xf32, #tpu.memory_space<vmem>> -> memref<1x128x64xf32, #tpu.memory_space<vmem>>
    %dma_start3A_125 = tpu.memref_squeeze %dma_start3A_124 : memref<1x128x64xf32, #tpu.memory_space<vmem>> -> memref<128x64xf32, #tpu.memory_space<vmem>>
    %dma_start3A_126 = arith.constant 0 : i32
    %dma_start3A_127 = tpu.memref_slice %arg9[%dma_start3A_120, %dma_start3A_126] : memref<40x128xi32, #tpu.memory_space<vmem>> -> memref<1x128xi32, #tpu.memory_space<vmem>>
    %dma_start3A_128 = tpu.memref_squeeze %dma_start3A_127 : memref<1x128xi32, #tpu.memory_space<vmem>> -> memref<128xi32, #tpu.memory_space<vmem>>
    %dma_start3A_129 = arith.constant 0 : i32
    %dma_start3A_130 = arith.constant 0 : i32
    %dma_start3A_131 = tpu.memref_slice %arg13[%dma_start3A_129, %dma_start3A_130] : memref<10112x64xf32, #tpu.memory_space<vmem_shared>> -> memref<10112x64xf32, #tpu.memory_space<vmem_shared>>
    tpu.enqueue_indirect_dma source(%dma_start3A_131 : memref<10112x64xf32, #tpu.memory_space<vmem_shared>>) target(%dma_start3A_125 : memref<128x64xf32, #tpu.memory_space<vmem>>) offsets(%dma_start3A_128 : memref<128xi32, #tpu.memory_space<vmem>>) semaphore(%arg14 : memref<!tpu.dma_semaphore, #tpu.memory_space<semaphore_mem>>)
    %dma_start3A_132 = arith.constant 1 : i32
    %dma_start3A_133 = arith.constant 1 : i32
    %dma_start3A_134 = arith.constant 0 : i32
    %dma_start3A_135 = arith.constant 0 : i32
    %dma_start3A_136 = tpu.memref_slice %arg11[%dma_start3A_133, %dma_start3A_134, %dma_start3A_135] : memref<2x128x64xf32, #tpu.memory_space<vmem>> -> memref<1x128x64xf32, #tpu.memory_space<vmem>>
    %dma_start3A_137 = tpu.memref_squeeze %dma_start3A_136 : memref<1x128x64xf32, #tpu.memory_space<vmem>> -> memref<128x64xf32, #tpu.memory_space<vmem>>
    %dma_start3A_138 = arith.constant 0 : i32
    %dma_start3A_139 = tpu.memref_slice %arg9[%dma_start3A_132, %dma_start3A_138] : memref<40x128xi32, #tpu.memory_space<vmem>> -> memref<1x128xi32, #tpu.memory_space<vmem>>
    %dma_start3A_140 = tpu.memref_squeeze %dma_start3A_139 : memref<1x128xi32, #tpu.memory_space<vmem>> -> memref<128xi32, #tpu.memory_space<vmem>>
    %dma_start3A_141 = arith.constant 0 : i32
    %dma_start3A_142 = arith.constant 0 : i32
    %dma_start3A_143 = tpu.memref_slice %arg13[%dma_start3A_141, %dma_start3A_142] : memref<10112x64xf32, #tpu.memory_space<vmem_shared>> -> memref<10112x64xf32, #tpu.memory_space<vmem_shared>>
    tpu.enqueue_indirect_dma source(%dma_start3A_143 : memref<10112x64xf32, #tpu.memory_space<vmem_shared>>) target(%dma_start3A_137 : memref<128x64xf32, #tpu.memory_space<vmem>>) offsets(%dma_start3A_140 : memref<128xi32, #tpu.memory_space<vmem>>) semaphore(%arg15 : memref<!tpu.dma_semaphore, #tpu.memory_space<semaphore_mem>>)
    %scan3A_144 = arith.constant 0 : i32
    %scan3A_145 = arith.constant 0 : i32
    %scan3A_146 = arith.constant 20 : i32
    %scan3A_147 = arith.addi %scan3A_145, %scan3A_146 : i32
    %scan3A_148 = arith.constant 1 : i32
    scf.for %scan3A_151 = %scan3A_145 to %scan3A_147 step %scan3A_148  : i32 {
      %mul3A_152 = arith.constant 2 : i32
      %mul3A_153 = arith.muli %scan3A_151, %mul3A_152 : i32
      %add3A_154 = arith.constant 0 : i32
      %add3A_155 = arith.addi %mul3A_153, %add3A_154 : i32
      %dma_wait3A_156 = arith.constant 0 : i32
      %dma_wait3A_157 = arith.constant 0 : i32
      %dma_wait3A_158 = arith.constant 0 : i32
      %dma_wait3A_159 = tpu.memref_slice %arg11[%dma_wait3A_156, %dma_wait3A_157, %dma_wait3A_158] : memref<2x128x64xf32, #tpu.memory_space<vmem>> -> memref<1x128x64xf32, #tpu.memory_space<vmem>>
      %dma_wait3A_160 = tpu.memref_squeeze %dma_wait3A_159 : memref<1x128x64xf32, #tpu.memory_space<vmem>> -> memref<128x64xf32, #tpu.memory_space<vmem>>
      %dma_wait3A_161 = arith.constant 0 : i32
      %dma_wait3A_162 = tpu.memref_slice %arg9[%add3A_155, %dma_wait3A_161] : memref<40x128xi32, #tpu.memory_space<vmem>> -> memref<1x128xi32, #tpu.memory_space<vmem>>
      %dma_wait3A_163 = tpu.memref_squeeze %dma_wait3A_162 : memref<1x128xi32, #tpu.memory_space<vmem>> -> memref<128xi32, #tpu.memory_space<vmem>>
      %dma_wait3A_164 = arith.constant 0 : i32
      %dma_wait3A_165 = arith.constant 0 : i32
      %dma_wait3A_166 = tpu.memref_slice %arg13[%dma_wait3A_164, %dma_wait3A_165] : memref<10112x64xf32, #tpu.memory_space<vmem_shared>> -> memref<10112x64xf32, #tpu.memory_space<vmem_shared>>
      tpu.wait_indirect_dma semaphore(%arg14 : memref<!tpu.dma_semaphore, #tpu.memory_space<semaphore_mem>>) src(%dma_wait3A_166 : memref<10112x64xf32, #tpu.memory_space<vmem_shared>>) dst(%dma_wait3A_160 : memref<128x64xf32, #tpu.memory_space<vmem>>)
      %dma_start3A_167 = arith.constant 0 : i32
      %dma_start3A_168 = arith.constant 0 : i32
      %dma_start3A_169 = arith.constant 0 : i32
      %dma_start3A_170 = tpu.memref_slice %arg11[%dma_start3A_167, %dma_start3A_168, %dma_start3A_169] : memref<2x128x64xf32, #tpu.memory_space<vmem>> -> memref<1x128x64xf32, #tpu.memory_space<vmem>>
      %dma_start3A_171 = tpu.memref_squeeze %dma_start3A_170 : memref<1x128x64xf32, #tpu.memory_space<vmem>> -> memref<128x64xf32, #tpu.memory_space<vmem>>
      %dma_start3A_172 = arith.constant 0 : i32
      %dma_start3A_173 = tpu.memref_slice %arg10[%add3A_155, %dma_start3A_172] : memref<40x128xi32, #tpu.memory_space<vmem>> -> memref<1x128xi32, #tpu.memory_space<vmem>>
      %dma_start3A_174 = tpu.memref_squeeze %dma_start3A_173 : memref<1x128xi32, #tpu.memory_space<vmem>> -> memref<128xi32, #tpu.memory_space<vmem>>
      %dma_start3A_175 = arith.constant 0 : i32
      %dma_start3A_176 = arith.constant 0 : i32
      %dma_start3A_177 = tpu.memref_slice %arg12[%dma_start3A_175, %dma_start3A_176] : memref<10112x64xf32, #tpu.memory_space<vmem_shared>> -> memref<10112x64xf32, #tpu.memory_space<vmem_shared>>
      tpu.enqueue_indirect_dma source(%dma_start3A_171 : memref<128x64xf32, #tpu.memory_space<vmem>>) target(%dma_start3A_177 : memref<10112x64xf32, #tpu.memory_space<vmem_shared>>) offsets(%dma_start3A_174 : memref<128xi32, #tpu.memory_space<vmem>>) semaphore(%arg16 : memref<!tpu.dma_semaphore, #tpu.memory_space<semaphore_mem>>) {add = true}
      %mul3A_178 = arith.constant 2 : i32
      %mul3A_179 = arith.muli %scan3A_151, %mul3A_178 : i32
      %add3A_180 = arith.constant 1 : i32
      %add3A_181 = arith.addi %mul3A_179, %add3A_180 : i32
      %dma_wait3A_182 = arith.constant 1 : i32
      %dma_wait3A_183 = arith.constant 0 : i32
      %dma_wait3A_184 = arith.constant 0 : i32
      %dma_wait3A_185 = tpu.memref_slice %arg11[%dma_wait3A_182, %dma_wait3A_183, %dma_wait3A_184] : memref<2x128x64xf32, #tpu.memory_space<vmem>> -> memref<1x128x64xf32, #tpu.memory_space<vmem>>
      %dma_wait3A_186 = tpu.memref_squeeze %dma_wait3A_185 : memref<1x128x64xf32, #tpu.memory_space<vmem>> -> memref<128x64xf32, #tpu.memory_space<vmem>>
      %dma_wait3A_187 = arith.constant 0 : i32
      %dma_wait3A_188 = tpu.memref_slice %arg9[%add3A_181, %dma_wait3A_187] : memref<40x128xi32, #tpu.memory_space<vmem>> -> memref<1x128xi32, #tpu.memory_space<vmem>>
      %dma_wait3A_189 = tpu.memref_squeeze %dma_wait3A_188 : memref<1x128xi32, #tpu.memory_space<vmem>> -> memref<128xi32, #tpu.memory_space<vmem>>
      %dma_wait3A_190 = arith.constant 0 : i32
      %dma_wait3A_191 = arith.constant 0 : i32
      %dma_wait3A_192 = tpu.memref_slice %arg13[%dma_wait3A_190, %dma_wait3A_191] : memref<10112x64xf32, #tpu.memory_space<vmem_shared>> -> memref<10112x64xf32, #tpu.memory_space<vmem_shared>>
      tpu.wait_indirect_dma semaphore(%arg15 : memref<!tpu.dma_semaphore, #tpu.memory_space<semaphore_mem>>) src(%dma_wait3A_192 : memref<10112x64xf32, #tpu.memory_space<vmem_shared>>) dst(%dma_wait3A_186 : memref<128x64xf32, #tpu.memory_space<vmem>>)
      %dma_start3A_193 = arith.constant 1 : i32
      %dma_start3A_194 = arith.constant 0 : i32
      %dma_start3A_195 = arith.constant 0 : i32
      %dma_start3A_196 = tpu.memref_slice %arg11[%dma_start3A_193, %dma_start3A_194, %dma_start3A_195] : memref<2x128x64xf32, #tpu.memory_space<vmem>> -> memref<1x128x64xf32, #tpu.memory_space<vmem>>
      %dma_start3A_197 = tpu.memref_squeeze %dma_start3A_196 : memref<1x128x64xf32, #tpu.memory_space<vmem>> -> memref<128x64xf32, #tpu.memory_space<vmem>>
      %dma_start3A_198 = arith.constant 0 : i32
      %dma_start3A_199 = tpu.memref_slice %arg10[%add3A_181, %dma_start3A_198] : memref<40x128xi32, #tpu.memory_space<vmem>> -> memref<1x128xi32, #tpu.memory_space<vmem>>
      %dma_start3A_200 = tpu.memref_squeeze %dma_start3A_199 : memref<1x128xi32, #tpu.memory_space<vmem>> -> memref<128xi32, #tpu.memory_space<vmem>>
      %dma_start3A_201 = arith.constant 0 : i32
      %dma_start3A_202 = arith.constant 0 : i32
      %dma_start3A_203 = tpu.memref_slice %arg12[%dma_start3A_201, %dma_start3A_202] : memref<10112x64xf32, #tpu.memory_space<vmem_shared>> -> memref<10112x64xf32, #tpu.memory_space<vmem_shared>>
      tpu.enqueue_indirect_dma source(%dma_start3A_197 : memref<128x64xf32, #tpu.memory_space<vmem>>) target(%dma_start3A_203 : memref<10112x64xf32, #tpu.memory_space<vmem_shared>>) offsets(%dma_start3A_200 : memref<128xi32, #tpu.memory_space<vmem>>) semaphore(%arg17 : memref<!tpu.dma_semaphore, #tpu.memory_space<semaphore_mem>>) {add = true}
      %mul3A_204 = arith.constant 2 : i32
      %mul3A_205 = arith.muli %scan3A_151, %mul3A_204 : i32
      %add3A_206 = arith.constant 0 : i32
      %add3A_207 = arith.addi %mul3A_205, %add3A_206 : i32
      %dma_wait3A_208 = arith.constant 0 : i32
      %dma_wait3A_209 = arith.constant 0 : i32
      %dma_wait3A_210 = arith.constant 0 : i32
      %dma_wait3A_211 = tpu.memref_slice %arg11[%dma_wait3A_208, %dma_wait3A_209, %dma_wait3A_210] : memref<2x128x64xf32, #tpu.memory_space<vmem>> -> memref<1x128x64xf32, #tpu.memory_space<vmem>>
      %dma_wait3A_212 = tpu.memref_squeeze %dma_wait3A_211 : memref<1x128x64xf32, #tpu.memory_space<vmem>> -> memref<128x64xf32, #tpu.memory_space<vmem>>
      %dma_wait3A_213 = arith.constant 0 : i32
      %dma_wait3A_214 = tpu.memref_slice %arg10[%add3A_207, %dma_wait3A_213] : memref<40x128xi32, #tpu.memory_space<vmem>> -> memref<1x128xi32, #tpu.memory_space<vmem>>
      %dma_wait3A_215 = tpu.memref_squeeze %dma_wait3A_214 : memref<1x128xi32, #tpu.memory_space<vmem>> -> memref<128xi32, #tpu.memory_space<vmem>>
      %dma_wait3A_216 = arith.constant 0 : i32
      %dma_wait3A_217 = arith.constant 0 : i32
      %dma_wait3A_218 = tpu.memref_slice %arg12[%dma_wait3A_216, %dma_wait3A_217] : memref<10112x64xf32, #tpu.memory_space<vmem_shared>> -> memref<10112x64xf32, #tpu.memory_space<vmem_shared>>
      tpu.wait_indirect_dma semaphore(%arg16 : memref<!tpu.dma_semaphore, #tpu.memory_space<semaphore_mem>>) src(%dma_wait3A_212 : memref<128x64xf32, #tpu.memory_space<vmem>>) dst(%dma_wait3A_218 : memref<10112x64xf32, #tpu.memory_space<vmem_shared>>)
      %add3A_219 = arith.constant 2 : i32
      %add3A_220 = arith.addi %add3A_207, %add3A_219 : i32
      %lt3A = arith.constant 40 : i32
      %lt3A_221 = arith.cmpi slt, %add3A_220, %lt3A : i32
      %convert_element_type3A = arith.extui %lt3A_221 : i1 to i32
      %cond3A = arith.constant 0 : i32
      %cond3A_222 = arith.cmpi ne, %convert_element_type3A, %cond3A : i32
      scf.if %cond3A_222 {
        %add3A_245 = arith.constant 2 : i32
        %add3A_246 = arith.addi %add3A_207, %add3A_245 : i32
        %dma_start3A_247 = arith.constant 0 : i32
        %dma_start3A_248 = arith.constant 0 : i32
        %dma_start3A_249 = arith.constant 0 : i32
        %dma_start3A_250 = tpu.memref_slice %arg11[%dma_start3A_247, %dma_start3A_248, %dma_start3A_249] : memref<2x128x64xf32, #tpu.memory_space<vmem>> -> memref<1x128x64xf32, #tpu.memory_space<vmem>>
        %dma_start3A_251 = tpu.memref_squeeze %dma_start3A_250 : memref<1x128x64xf32, #tpu.memory_space<vmem>> -> memref<128x64xf32, #tpu.memory_space<vmem>>
        %dma_start3A_252 = arith.constant 0 : i32
        %dma_start3A_253 = tpu.memref_slice %arg9[%add3A_246, %dma_start3A_252] : memref<40x128xi32, #tpu.memory_space<vmem>> -> memref<1x128xi32, #tpu.memory_space<vmem>>
        %dma_start3A_254 = tpu.memref_squeeze %dma_start3A_253 : memref<1x128xi32, #tpu.memory_space<vmem>> -> memref<128xi32, #tpu.memory_space<vmem>>
        %dma_start3A_255 = arith.constant 0 : i32
        %dma_start3A_256 = arith.constant 0 : i32
        %dma_start3A_257 = tpu.memref_slice %arg13[%dma_start3A_255, %dma_start3A_256] : memref<10112x64xf32, #tpu.memory_space<vmem_shared>> -> memref<10112x64xf32, #tpu.memory_space<vmem_shared>>
        tpu.enqueue_indirect_dma source(%dma_start3A_257 : memref<10112x64xf32, #tpu.memory_space<vmem_shared>>) target(%dma_start3A_251 : memref<128x64xf32, #tpu.memory_space<vmem>>) offsets(%dma_start3A_254 : memref<128xi32, #tpu.memory_space<vmem>>) semaphore(%arg14 : memref<!tpu.dma_semaphore, #tpu.memory_space<semaphore_mem>>)
      } else {
      }
      %mul3A_223 = arith.constant 2 : i32
      %mul3A_224 = arith.muli %scan3A_151, %mul3A_223 : i32
      %add3A_225 = arith.constant 1 : i32
      %add3A_226 = arith.addi %mul3A_224, %add3A_225 : i32
      %dma_wait3A_227 = arith.constant 1 : i32
      %dma_wait3A_228 = arith.constant 0 : i32
      %dma_wait3A_229 = arith.constant 0 : i32
      %dma_wait3A_230 = tpu.memref_slice %arg11[%dma_wait3A_227, %dma_wait3A_228, %dma_wait3A_229] : memref<2x128x64xf32, #tpu.memory_space<vmem>> -> memref<1x128x64xf32, #tpu.memory_space<vmem>>
      %dma_wait3A_231 = tpu.memref_squeeze %dma_wait3A_230 : memref<1x128x64xf32, #tpu.memory_space<vmem>> -> memref<128x64xf32, #tpu.memory_space<vmem>>
      %dma_wait3A_232 = arith.constant 0 : i32
      %dma_wait3A_233 = tpu.memref_slice %arg10[%add3A_226, %dma_wait3A_232] : memref<40x128xi32, #tpu.memory_space<vmem>> -> memref<1x128xi32, #tpu.memory_space<vmem>>
      %dma_wait3A_234 = tpu.memref_squeeze %dma_wait3A_233 : memref<1x128xi32, #tpu.memory_space<vmem>> -> memref<128xi32, #tpu.memory_space<vmem>>
      %dma_wait3A_235 = arith.constant 0 : i32
      %dma_wait3A_236 = arith.constant 0 : i32
      %dma_wait3A_237 = tpu.memref_slice %arg12[%dma_wait3A_235, %dma_wait3A_236] : memref<10112x64xf32, #tpu.memory_space<vmem_shared>> -> memref<10112x64xf32, #tpu.memory_space<vmem_shared>>
      tpu.wait_indirect_dma semaphore(%arg17 : memref<!tpu.dma_semaphore, #tpu.memory_space<semaphore_mem>>) src(%dma_wait3A_231 : memref<128x64xf32, #tpu.memory_space<vmem>>) dst(%dma_wait3A_237 : memref<10112x64xf32, #tpu.memory_space<vmem_shared>>)
      %add3A_238 = arith.constant 2 : i32
      %add3A_239 = arith.addi %add3A_226, %add3A_238 : i32
      %lt3A_240 = arith.constant 40 : i32
      %lt3A_241 = arith.cmpi slt, %add3A_239, %lt3A_240 : i32
      %convert_element_type3A_242 = arith.extui %lt3A_241 : i1 to i32
      %cond3A_243 = arith.constant 0 : i32
      %cond3A_244 = arith.cmpi ne, %convert_element_type3A_242, %cond3A_243 : i32
      scf.if %cond3A_244 {
        %add3A_245 = arith.constant 2 : i32
        %add3A_246 = arith.addi %add3A_226, %add3A_245 : i32
        %dma_start3A_247 = arith.constant 1 : i32
        %dma_start3A_248 = arith.constant 0 : i32
        %dma_start3A_249 = arith.constant 0 : i32
        %dma_start3A_250 = tpu.memref_slice %arg11[%dma_start3A_247, %dma_start3A_248, %dma_start3A_249] : memref<2x128x64xf32, #tpu.memory_space<vmem>> -> memref<1x128x64xf32, #tpu.memory_space<vmem>>
        %dma_start3A_251 = tpu.memref_squeeze %dma_start3A_250 : memref<1x128x64xf32, #tpu.memory_space<vmem>> -> memref<128x64xf32, #tpu.memory_space<vmem>>
        %dma_start3A_252 = arith.constant 0 : i32
        %dma_start3A_253 = tpu.memref_slice %arg9[%add3A_246, %dma_start3A_252] : memref<40x128xi32, #tpu.memory_space<vmem>> -> memref<1x128xi32, #tpu.memory_space<vmem>>
        %dma_start3A_254 = tpu.memref_squeeze %dma_start3A_253 : memref<1x128xi32, #tpu.memory_space<vmem>> -> memref<128xi32, #tpu.memory_space<vmem>>
        %dma_start3A_255 = arith.constant 0 : i32
        %dma_start3A_256 = arith.constant 0 : i32
        %dma_start3A_257 = tpu.memref_slice %arg13[%dma_start3A_255, %dma_start3A_256] : memref<10112x64xf32, #tpu.memory_space<vmem_shared>> -> memref<10112x64xf32, #tpu.memory_space<vmem_shared>>
        tpu.enqueue_indirect_dma source(%dma_start3A_257 : memref<10112x64xf32, #tpu.memory_space<vmem_shared>>) target(%dma_start3A_251 : memref<128x64xf32, #tpu.memory_space<vmem>>) offsets(%dma_start3A_254 : memref<128xi32, #tpu.memory_space<vmem>>) semaphore(%arg15 : memref<!tpu.dma_semaphore, #tpu.memory_space<semaphore_mem>>)
      } else {
      }
    }
    %scan3A_149 = arith.constant 20 : i32
    %barrier3A_150 = arith.constant 0 : index
    tpu.barrier barrier_id(%barrier3A_150)
    "tpu.region"() ({
      %run_scoped3A = tpu.sem_alloc : memref<!tpu.dma_semaphore, #tpu.memory_space<semaphore_mem>>
      %dma_start3A_151 = arith.constant 0 : i32
      %dma_start3A_152 = tpu.memref_slice %arg6[%arg0, %mul3A_2, %dma_start3A_151] : memref<2x10112x64xf32, #tpu.memory_space<hbm>> -> memref<1x632x64xf32, #tpu.memory_space<hbm>>
      %dma_start3A_153 = tpu.memref_squeeze %dma_start3A_152 : memref<1x632x64xf32, #tpu.memory_space<hbm>> -> memref<632x64xf32, #tpu.memory_space<hbm>>
      %dma_start3A_154 = arith.constant 0 : i32
      %dma_start3A_155 = tpu.memref_slice %arg12[%mul3A_2, %dma_start3A_154] : memref<10112x64xf32, #tpu.memory_space<vmem_shared>> -> memref<632x64xf32, #tpu.memory_space<vmem_shared>>
      tpu.enqueue_dma source(%dma_start3A_155 : memref<632x64xf32, #tpu.memory_space<vmem_shared>>) target(%dma_start3A_153 : memref<632x64xf32, #tpu.memory_space<hbm>>) target_semaphore(%run_scoped3A : memref<!tpu.dma_semaphore, #tpu.memory_space<semaphore_mem>>)
      %dma_wait3A_156 = arith.constant 0 : i32
      %dma_wait3A_157 = tpu.memref_slice %arg6[%arg0, %mul3A_2, %dma_wait3A_156] : memref<2x10112x64xf32, #tpu.memory_space<hbm>> -> memref<1x632x64xf32, #tpu.memory_space<hbm>>
      %dma_wait3A_158 = tpu.memref_squeeze %dma_wait3A_157 : memref<1x632x64xf32, #tpu.memory_space<hbm>> -> memref<632x64xf32, #tpu.memory_space<hbm>>
      %dma_wait3A_159 = arith.constant 0 : i32
      %dma_wait3A_160 = tpu.memref_slice %arg12[%mul3A_2, %dma_wait3A_159] : memref<10112x64xf32, #tpu.memory_space<vmem_shared>> -> memref<632x64xf32, #tpu.memory_space<vmem_shared>>
      tpu.wait_dma2 semaphore(%run_scoped3A : memref<!tpu.dma_semaphore, #tpu.memory_space<semaphore_mem>>) src(%dma_wait3A_160 : memref<632x64xf32, #tpu.memory_space<vmem_shared>>) dst(%dma_wait3A_158 : memref<632x64xf32, #tpu.memory_space<hbm>>)
      tpu.yield
    }) : () -> ()
    return
  }
}

#map = affine_map<(d0, d1) -> (0, 0, 0)>
#map1 = affine_map<(d0, d1) -> (0, 0, 0, 0)>
#map2 = affine_map<(d0, d1) -> (0, 0)>
module attributes {stable_mosaic.version = 14 : i64} {
  func.func @_segsum_final_body(%arg0: i32, %arg1: i32, %arg2: memref<2x10112x64xf32, #tpu.memory_space<hbm>>, %arg3: memref<4x32x40x128xi32, #tpu.memory_space<hbm>>, %arg4: memref<16x5x128xi32, #tpu.memory_space<hbm>>, %arg5: memref<10112x64xf32, #tpu.memory_space<hbm>>, %arg6: memref<2x10112x64xf32, #tpu.memory_space<hbm>>, %arg7: memref<10112x64xf32, #tpu.memory_space<hbm>>, %arg8: memref<40x128xi32, #tpu.memory_space<vmem>>, %arg9: memref<40x128xi32, #tpu.memory_space<vmem>>, %arg10: memref<5x128xi32, #tpu.memory_space<vmem>>, %arg11: memref<2x128x64xf32, #tpu.memory_space<vmem>>, %arg12: memref<10112x64xf32, #tpu.memory_space<vmem_shared>>, %arg13: memref<10112x64xf32, #tpu.memory_space<vmem_shared>>, %arg14: memref<!tpu.dma_semaphore, #tpu.memory_space<semaphore_mem>>, %arg15: memref<!tpu.dma_semaphore, #tpu.memory_space<semaphore_mem>>, %arg16: memref<!tpu.dma_semaphore, #tpu.memory_space<semaphore_mem>>, %arg17: memref<!tpu.dma_semaphore, #tpu.memory_space<semaphore_mem>>, %arg18: memref<!tpu.dma_semaphore, #tpu.memory_space<semaphore_mem>>) attributes {dimension_semantics = [#tpu.dimension_semantics<core_parallel>, #tpu.dimension_semantics<subcore_parallel>], iteration_bounds = array<i64: 2, 16>, scalar_prefetch = 0 : i64, scratch_operands = 11 : i64, tpu.core_type = #tpu.core_type<sc_vector_subcore>, window_params = [{transform_indices = #map}, {transform_indices = #map1}, {transform_indices = #map}, {transform_indices = #map2}, {transform_indices = #map}, {transform_indices = #map2}]} {
    %mul3A = arith.constant 16 : i32
    %mul3A_0 = arith.muli %arg0, %mul3A : i32
    %add3A = arith.addi %mul3A_0, %arg1 : i32
    %mul3A_1 = arith.constant 632 : i32
    %mul3A_2 = arith.muli %arg1, %mul3A_1 : i32
    %dma_start3A = arith.constant 0 : i32
    %dma_start3A_3 = tpu.memref_slice %arg12[%mul3A_2, %dma_start3A] : memref<10112x64xf32, #tpu.memory_space<vmem_shared>> -> memref<632x64xf32, #tpu.memory_space<vmem_shared>>
    %dma_start3A_4 = arith.constant 0 : i32
    %dma_start3A_5 = tpu.memref_slice %arg5[%mul3A_2, %dma_start3A_4] : memref<10112x64xf32, #tpu.memory_space<hbm>> -> memref<632x64xf32, #tpu.memory_space<hbm>>
    tpu.enqueue_dma source(%dma_start3A_5 : memref<632x64xf32, #tpu.memory_space<hbm>>) target(%dma_start3A_3 : memref<632x64xf32, #tpu.memory_space<vmem_shared>>) target_semaphore(%arg14 : memref<!tpu.dma_semaphore, #tpu.memory_space<semaphore_mem>>)
    %dma_start3A_6 = arith.constant 0 : i32
    %dma_start3A_7 = arith.constant 0 : i32
    %dma_start3A_8 = tpu.memref_slice %arg13[%mul3A_2, %dma_start3A_7] : memref<10112x64xf32, #tpu.memory_space<vmem_shared>> -> memref<632x64xf32, #tpu.memory_space<vmem_shared>>
    %dma_start3A_9 = arith.constant 0 : i32
    %dma_start3A_10 = tpu.memref_slice %arg2[%dma_start3A_6, %mul3A_2, %dma_start3A_9] : memref<2x10112x64xf32, #tpu.memory_space<hbm>> -> memref<1x632x64xf32, #tpu.memory_space<hbm>>
    %dma_start3A_11 = tpu.memref_squeeze %dma_start3A_10 : memref<1x632x64xf32, #tpu.memory_space<hbm>> -> memref<632x64xf32, #tpu.memory_space<hbm>>
    tpu.enqueue_dma source(%dma_start3A_11 : memref<632x64xf32, #tpu.memory_space<hbm>>) target(%dma_start3A_8 : memref<632x64xf32, #tpu.memory_space<vmem_shared>>) target_semaphore(%arg15 : memref<!tpu.dma_semaphore, #tpu.memory_space<semaphore_mem>>)
    %dma_start3A_12 = arith.constant 0 : i32
    %dma_start3A_13 = arith.constant 0 : i32
    %dma_start3A_14 = tpu.memref_slice %arg4[%arg1, %dma_start3A_12, %dma_start3A_13] : memref<16x5x128xi32, #tpu.memory_space<hbm>> -> memref<1x5x128xi32, #tpu.memory_space<hbm>>
    %dma_start3A_15 = tpu.memref_squeeze %dma_start3A_14 : memref<1x5x128xi32, #tpu.memory_space<hbm>> -> memref<5x128xi32, #tpu.memory_space<hbm>>
    %dma_start3A_16 = arith.constant 0 : i32
    %dma_start3A_17 = arith.constant 0 : i32
    %dma_start3A_18 = tpu.memref_slice %arg4[%arg1, %dma_start3A_16, %dma_start3A_17] : memref<16x5x128xi32, #tpu.memory_space<hbm>> -> memref<1x5x128xi32, #tpu.memory_space<hbm>>
    %dma_start3A_19 = tpu.memref_squeeze %dma_start3A_18 : memref<1x5x128xi32, #tpu.memory_space<hbm>> -> memref<5x128xi32, #tpu.memory_space<hbm>>
    tpu.enqueue_dma source(%dma_start3A_19 : memref<5x128xi32, #tpu.memory_space<hbm>>) target(%arg10 : memref<5x128xi32, #tpu.memory_space<vmem>>) target_semaphore(%arg16 : memref<!tpu.dma_semaphore, #tpu.memory_space<semaphore_mem>>)
    %dma_start3A_20 = arith.constant 2 : i32
    %dma_start3A_21 = arith.constant 0 : i32
    %dma_start3A_22 = arith.constant 0 : i32
    %dma_start3A_23 = tpu.memref_slice %arg3[%dma_start3A_20, %add3A, %dma_start3A_21, %dma_start3A_22] : memref<4x32x40x128xi32, #tpu.memory_space<hbm>> -> memref<1x1x40x128xi32, #tpu.memory_space<hbm>>
    %dma_start3A_24 = tpu.memref_squeeze %dma_start3A_23 : memref<1x1x40x128xi32, #tpu.memory_space<hbm>> -> memref<40x128xi32, #tpu.memory_space<hbm>>
    %dma_start3A_25 = arith.constant 0 : i32
    %dma_start3A_26 = arith.constant 0 : i32
    %dma_start3A_27 = tpu.memref_slice %arg3[%dma_start3A_20, %add3A, %dma_start3A_25, %dma_start3A_26] : memref<4x32x40x128xi32, #tpu.memory_space<hbm>> -> memref<1x1x40x128xi32, #tpu.memory_space<hbm>>
    %dma_start3A_28 = tpu.memref_squeeze %dma_start3A_27 : memref<1x1x40x128xi32, #tpu.memory_space<hbm>> -> memref<40x128xi32, #tpu.memory_space<hbm>>
    tpu.enqueue_dma source(%dma_start3A_28 : memref<40x128xi32, #tpu.memory_space<hbm>>) target(%arg8 : memref<40x128xi32, #tpu.memory_space<vmem>>) target_semaphore(%arg17 : memref<!tpu.dma_semaphore, #tpu.memory_space<semaphore_mem>>)
    %dma_start3A_29 = arith.constant 3 : i32
    %dma_start3A_30 = arith.constant 0 : i32
    %dma_start3A_31 = arith.constant 0 : i32
    %dma_start3A_32 = tpu.memref_slice %arg3[%dma_start3A_29, %add3A, %dma_start3A_30, %dma_start3A_31] : memref<4x32x40x128xi32, #tpu.memory_space<hbm>> -> memref<1x1x40x128xi32, #tpu.memory_space<hbm>>
    %dma_start3A_33 = tpu.memref_squeeze %dma_start3A_32 : memref<1x1x40x128xi32, #tpu.memory_space<hbm>> -> memref<40x128xi32, #tpu.memory_space<hbm>>
    %dma_start3A_34 = arith.constant 0 : i32
    %dma_start3A_35 = arith.constant 0 : i32
    %dma_start3A_36 = tpu.memref_slice %arg3[%dma_start3A_29, %add3A, %dma_start3A_34, %dma_start3A_35] : memref<4x32x40x128xi32, #tpu.memory_space<hbm>> -> memref<1x1x40x128xi32, #tpu.memory_space<hbm>>
    %dma_start3A_37 = tpu.memref_squeeze %dma_start3A_36 : memref<1x1x40x128xi32, #tpu.memory_space<hbm>> -> memref<40x128xi32, #tpu.memory_space<hbm>>
    tpu.enqueue_dma source(%dma_start3A_37 : memref<40x128xi32, #tpu.memory_space<hbm>>) target(%arg9 : memref<40x128xi32, #tpu.memory_space<vmem>>) target_semaphore(%arg14 : memref<!tpu.dma_semaphore, #tpu.memory_space<semaphore_mem>>)
    %dma_wait3A = arith.constant 0 : i32
    %dma_wait3A_38 = tpu.memref_slice %arg12[%mul3A_2, %dma_wait3A] : memref<10112x64xf32, #tpu.memory_space<vmem_shared>> -> memref<632x64xf32, #tpu.memory_space<vmem_shared>>
    %dma_wait3A_39 = arith.constant 0 : i32
    %dma_wait3A_40 = tpu.memref_slice %arg5[%mul3A_2, %dma_wait3A_39] : memref<10112x64xf32, #tpu.memory_space<hbm>> -> memref<632x64xf32, #tpu.memory_space<hbm>>
    tpu.wait_dma2 semaphore(%arg14 : memref<!tpu.dma_semaphore, #tpu.memory_space<semaphore_mem>>) src(%dma_wait3A_40 : memref<632x64xf32, #tpu.memory_space<hbm>>) dst(%dma_wait3A_38 : memref<632x64xf32, #tpu.memory_space<vmem_shared>>)
    %dma_wait3A_41 = arith.constant 0 : i32
    %dma_wait3A_42 = arith.constant 0 : i32
    %dma_wait3A_43 = tpu.memref_slice %arg13[%mul3A_2, %dma_wait3A_42] : memref<10112x64xf32, #tpu.memory_space<vmem_shared>> -> memref<632x64xf32, #tpu.memory_space<vmem_shared>>
    %dma_wait3A_44 = arith.constant 0 : i32
    %dma_wait3A_45 = tpu.memref_slice %arg2[%dma_wait3A_41, %mul3A_2, %dma_wait3A_44] : memref<2x10112x64xf32, #tpu.memory_space<hbm>> -> memref<1x632x64xf32, #tpu.memory_space<hbm>>
    %dma_wait3A_46 = tpu.memref_squeeze %dma_wait3A_45 : memref<1x632x64xf32, #tpu.memory_space<hbm>> -> memref<632x64xf32, #tpu.memory_space<hbm>>
    tpu.wait_dma2 semaphore(%arg15 : memref<!tpu.dma_semaphore, #tpu.memory_space<semaphore_mem>>) src(%dma_wait3A_46 : memref<632x64xf32, #tpu.memory_space<hbm>>) dst(%dma_wait3A_43 : memref<632x64xf32, #tpu.memory_space<vmem_shared>>)
    %dma_wait3A_47 = arith.constant 0 : i32
    %dma_wait3A_48 = arith.constant 0 : i32
    %dma_wait3A_49 = tpu.memref_slice %arg4[%arg1, %dma_wait3A_47, %dma_wait3A_48] : memref<16x5x128xi32, #tpu.memory_space<hbm>> -> memref<1x5x128xi32, #tpu.memory_space<hbm>>
    %dma_wait3A_50 = tpu.memref_squeeze %dma_wait3A_49 : memref<1x5x128xi32, #tpu.memory_space<hbm>> -> memref<5x128xi32, #tpu.memory_space<hbm>>
    %dma_wait3A_51 = arith.constant 0 : i32
    %dma_wait3A_52 = arith.constant 0 : i32
    %dma_wait3A_53 = tpu.memref_slice %arg4[%arg1, %dma_wait3A_51, %dma_wait3A_52] : memref<16x5x128xi32, #tpu.memory_space<hbm>> -> memref<1x5x128xi32, #tpu.memory_space<hbm>>
    %dma_wait3A_54 = tpu.memref_squeeze %dma_wait3A_53 : memref<1x5x128xi32, #tpu.memory_space<hbm>> -> memref<5x128xi32, #tpu.memory_space<hbm>>
    tpu.wait_dma2 semaphore(%arg16 : memref<!tpu.dma_semaphore, #tpu.memory_space<semaphore_mem>>) src(%dma_wait3A_54 : memref<5x128xi32, #tpu.memory_space<hbm>>) dst(%arg10 : memref<5x128xi32, #tpu.memory_space<vmem>>)
    %dma_wait3A_55 = arith.constant 2 : i32
    %dma_wait3A_56 = arith.constant 0 : i32
    %dma_wait3A_57 = arith.constant 0 : i32
    %dma_wait3A_58 = tpu.memref_slice %arg3[%dma_wait3A_55, %add3A, %dma_wait3A_56, %dma_wait3A_57] : memref<4x32x40x128xi32, #tpu.memory_space<hbm>> -> memref<1x1x40x128xi32, #tpu.memory_space<hbm>>
    %dma_wait3A_59 = tpu.memref_squeeze %dma_wait3A_58 : memref<1x1x40x128xi32, #tpu.memory_space<hbm>> -> memref<40x128xi32, #tpu.memory_space<hbm>>
    %dma_wait3A_60 = arith.constant 0 : i32
    %dma_wait3A_61 = arith.constant 0 : i32
    %dma_wait3A_62 = tpu.memref_slice %arg3[%dma_wait3A_55, %add3A, %dma_wait3A_60, %dma_wait3A_61] : memref<4x32x40x128xi32, #tpu.memory_space<hbm>> -> memref<1x1x40x128xi32, #tpu.memory_space<hbm>>
    %dma_wait3A_63 = tpu.memref_squeeze %dma_wait3A_62 : memref<1x1x40x128xi32, #tpu.memory_space<hbm>> -> memref<40x128xi32, #tpu.memory_space<hbm>>
    tpu.wait_dma2 semaphore(%arg17 : memref<!tpu.dma_semaphore, #tpu.memory_space<semaphore_mem>>) src(%dma_wait3A_63 : memref<40x128xi32, #tpu.memory_space<hbm>>) dst(%arg8 : memref<40x128xi32, #tpu.memory_space<vmem>>)
    %dma_wait3A_64 = arith.constant 3 : i32
    %dma_wait3A_65 = arith.constant 0 : i32
    %dma_wait3A_66 = arith.constant 0 : i32
    %dma_wait3A_67 = tpu.memref_slice %arg3[%dma_wait3A_64, %add3A, %dma_wait3A_65, %dma_wait3A_66] : memref<4x32x40x128xi32, #tpu.memory_space<hbm>> -> memref<1x1x40x128xi32, #tpu.memory_space<hbm>>
    %dma_wait3A_68 = tpu.memref_squeeze %dma_wait3A_67 : memref<1x1x40x128xi32, #tpu.memory_space<hbm>> -> memref<40x128xi32, #tpu.memory_space<hbm>>
    %dma_wait3A_69 = arith.constant 0 : i32
    %dma_wait3A_70 = arith.constant 0 : i32
    %dma_wait3A_71 = tpu.memref_slice %arg3[%dma_wait3A_64, %add3A, %dma_wait3A_69, %dma_wait3A_70] : memref<4x32x40x128xi32, #tpu.memory_space<hbm>> -> memref<1x1x40x128xi32, #tpu.memory_space<hbm>>
    %dma_wait3A_72 = tpu.memref_squeeze %dma_wait3A_71 : memref<1x1x40x128xi32, #tpu.memory_space<hbm>> -> memref<40x128xi32, #tpu.memory_space<hbm>>
    tpu.wait_dma2 semaphore(%arg14 : memref<!tpu.dma_semaphore, #tpu.memory_space<semaphore_mem>>) src(%dma_wait3A_72 : memref<40x128xi32, #tpu.memory_space<hbm>>) dst(%arg9 : memref<40x128xi32, #tpu.memory_space<vmem>>)
    %mul3A_73 = arith.constant 632 : i32
    %mul3A_74 = arith.muli %arg1, %mul3A_73 : i32
    %add3A_75 = arith.constant 0 : i32
    %add3A_76 = arith.addi %mul3A_74, %add3A_75 : i32
    %dma_start3A_77 = arith.constant 1 : i32
    %dma_start3A_78 = arith.constant 0 : i32
    %dma_start3A_79 = arith.constant 0 : i32
    %dma_start3A_80 = arith.constant 0 : i32
    %dma_start3A_81 = tpu.memref_slice %arg11[%dma_start3A_78, %dma_start3A_79, %dma_start3A_80] : memref<2x128x64xf32, #tpu.memory_space<vmem>> -> memref<1x128x64xf32, #tpu.memory_space<vmem>>
    %dma_start3A_82 = tpu.memref_squeeze %dma_start3A_81 : memref<1x128x64xf32, #tpu.memory_space<vmem>> -> memref<128x64xf32, #tpu.memory_space<vmem>>
    %dma_start3A_83 = arith.constant 0 : i32
    %dma_start3A_84 = tpu.memref_slice %arg2[%dma_start3A_77, %add3A_76, %dma_start3A_83] : memref<2x10112x64xf32, #tpu.memory_space<hbm>> -> memref<1x128x64xf32, #tpu.memory_space<hbm>>
    %dma_start3A_85 = tpu.memref_squeeze %dma_start3A_84 : memref<1x128x64xf32, #tpu.memory_space<hbm>> -> memref<128x64xf32, #tpu.memory_space<hbm>>
    %dma_start3A_86 = arith.constant 0 : i32
    %dma_start3A_87 = arith.constant 0 : i32
    %dma_start3A_88 = tpu.memref_slice %arg11[%dma_start3A_78, %dma_start3A_86, %dma_start3A_87] : memref<2x128x64xf32, #tpu.memory_space<vmem>> -> memref<1x128x64xf32, #tpu.memory_space<vmem>>
    %dma_start3A_89 = tpu.memref_squeeze %dma_start3A_88 : memref<1x128x64xf32, #tpu.memory_space<vmem>> -> memref<128x64xf32, #tpu.memory_space<vmem>>
    %dma_start3A_90 = arith.constant 0 : i32
    %dma_start3A_91 = tpu.memref_slice %arg2[%dma_start3A_77, %add3A_76, %dma_start3A_90] : memref<2x10112x64xf32, #tpu.memory_space<hbm>> -> memref<1x128x64xf32, #tpu.memory_space<hbm>>
    %dma_start3A_92 = tpu.memref_squeeze %dma_start3A_91 : memref<1x128x64xf32, #tpu.memory_space<hbm>> -> memref<128x64xf32, #tpu.memory_space<hbm>>
    tpu.enqueue_dma source(%dma_start3A_92 : memref<128x64xf32, #tpu.memory_space<hbm>>) target(%dma_start3A_89 : memref<128x64xf32, #tpu.memory_space<vmem>>) target_semaphore(%arg14 : memref<!tpu.dma_semaphore, #tpu.memory_space<semaphore_mem>>)
    %mul3A_93 = arith.constant 632 : i32
    %mul3A_94 = arith.muli %arg1, %mul3A_93 : i32
    %add3A_95 = arith.constant 0 : i32
    %add3A_96 = arith.addi %mul3A_94, %add3A_95 : i32
    %dma_wait3A_97 = arith.constant 1 : i32
    %dma_wait3A_98 = arith.constant 0 : i32
    %dma_wait3A_99 = arith.constant 0 : i32
    %dma_wait3A_100 = arith.constant 0 : i32
    %dma_wait3A_101 = tpu.memref_slice %arg11[%dma_wait3A_98, %dma_wait3A_99, %dma_wait3A_100] : memref<2x128x64xf32, #tpu.memory_space<vmem>> -> memref<1x128x64xf32, #tpu.memory_space<vmem>>
    %dma_wait3A_102 = tpu.memref_squeeze %dma_wait3A_101 : memref<1x128x64xf32, #tpu.memory_space<vmem>> -> memref<128x64xf32, #tpu.memory_space<vmem>>
    %dma_wait3A_103 = arith.constant 0 : i32
    %dma_wait3A_104 = tpu.memref_slice %arg2[%dma_wait3A_97, %add3A_96, %dma_wait3A_103] : memref<2x10112x64xf32, #tpu.memory_space<hbm>> -> memref<1x128x64xf32, #tpu.memory_space<hbm>>
    %dma_wait3A_105 = tpu.memref_squeeze %dma_wait3A_104 : memref<1x128x64xf32, #tpu.memory_space<hbm>> -> memref<128x64xf32, #tpu.memory_space<hbm>>
    %dma_wait3A_106 = arith.constant 0 : i32
    %dma_wait3A_107 = arith.constant 0 : i32
    %dma_wait3A_108 = tpu.memref_slice %arg11[%dma_wait3A_98, %dma_wait3A_106, %dma_wait3A_107] : memref<2x128x64xf32, #tpu.memory_space<vmem>> -> memref<1x128x64xf32, #tpu.memory_space<vmem>>
    %dma_wait3A_109 = tpu.memref_squeeze %dma_wait3A_108 : memref<1x128x64xf32, #tpu.memory_space<vmem>> -> memref<128x64xf32, #tpu.memory_space<vmem>>
    %dma_wait3A_110 = arith.constant 0 : i32
    %dma_wait3A_111 = tpu.memref_slice %arg2[%dma_wait3A_97, %add3A_96, %dma_wait3A_110] : memref<2x10112x64xf32, #tpu.memory_space<hbm>> -> memref<1x128x64xf32, #tpu.memory_space<hbm>>
    %dma_wait3A_112 = tpu.memref_squeeze %dma_wait3A_111 : memref<1x128x64xf32, #tpu.memory_space<hbm>> -> memref<128x64xf32, #tpu.memory_space<hbm>>
    tpu.wait_dma2 semaphore(%arg14 : memref<!tpu.dma_semaphore, #tpu.memory_space<semaphore_mem>>) src(%dma_wait3A_112 : memref<128x64xf32, #tpu.memory_space<hbm>>) dst(%dma_wait3A_109 : memref<128x64xf32, #tpu.memory_space<vmem>>)
    %mul3A_113 = arith.constant 632 : i32
    %mul3A_114 = arith.muli %arg1, %mul3A_113 : i32
    %add3A_115 = arith.constant 128 : i32
    %add3A_116 = arith.addi %mul3A_114, %add3A_115 : i32
    %dma_start3A_117 = arith.constant 1 : i32
    %dma_start3A_118 = arith.constant 1 : i32
    %dma_start3A_119 = arith.constant 0 : i32
    %dma_start3A_120 = arith.constant 0 : i32
    %dma_start3A_121 = tpu.memref_slice %arg11[%dma_start3A_118, %dma_start3A_119, %dma_start3A_120] : memref<2x128x64xf32, #tpu.memory_space<vmem>> -> memref<1x128x64xf32, #tpu.memory_space<vmem>>
    %dma_start3A_122 = tpu.memref_squeeze %dma_start3A_121 : memref<1x128x64xf32, #tpu.memory_space<vmem>> -> memref<128x64xf32, #tpu.memory_space<vmem>>
    %dma_start3A_123 = arith.constant 0 : i32
    %dma_start3A_124 = tpu.memref_slice %arg2[%dma_start3A_117, %add3A_116, %dma_start3A_123] : memref<2x10112x64xf32, #tpu.memory_space<hbm>> -> memref<1x128x64xf32, #tpu.memory_space<hbm>>
    %dma_start3A_125 = tpu.memref_squeeze %dma_start3A_124 : memref<1x128x64xf32, #tpu.memory_space<hbm>> -> memref<128x64xf32, #tpu.memory_space<hbm>>
    %dma_start3A_126 = arith.constant 0 : i32
    %dma_start3A_127 = arith.constant 0 : i32
    %dma_start3A_128 = tpu.memref_slice %arg11[%dma_start3A_118, %dma_start3A_126, %dma_start3A_127] : memref<2x128x64xf32, #tpu.memory_space<vmem>> -> memref<1x128x64xf32, #tpu.memory_space<vmem>>
    %dma_start3A_129 = tpu.memref_squeeze %dma_start3A_128 : memref<1x128x64xf32, #tpu.memory_space<vmem>> -> memref<128x64xf32, #tpu.memory_space<vmem>>
    %dma_start3A_130 = arith.constant 0 : i32
    %dma_start3A_131 = tpu.memref_slice %arg2[%dma_start3A_117, %add3A_116, %dma_start3A_130] : memref<2x10112x64xf32, #tpu.memory_space<hbm>> -> memref<1x128x64xf32, #tpu.memory_space<hbm>>
    %dma_start3A_132 = tpu.memref_squeeze %dma_start3A_131 : memref<1x128x64xf32, #tpu.memory_space<hbm>> -> memref<128x64xf32, #tpu.memory_space<hbm>>
    tpu.enqueue_dma source(%dma_start3A_132 : memref<128x64xf32, #tpu.memory_space<hbm>>) target(%dma_start3A_129 : memref<128x64xf32, #tpu.memory_space<vmem>>) target_semaphore(%arg15 : memref<!tpu.dma_semaphore, #tpu.memory_space<semaphore_mem>>)
    %run_scoped3A = arith.constant 0 : i32
    %run_scoped3A_133 = arith.constant 0 : i32
    "tpu.region"() ({
      %run_scoped3A_319 = tpu.sem_alloc : memref<!tpu.dma_semaphore, #tpu.memory_space<semaphore_mem>>
      %dma_start3A_320 = arith.constant 0 : i32
      %dma_start3A_321 = arith.constant 0 : i32
      %dma_start3A_322 = tpu.memref_slice %arg11[%run_scoped3A, %dma_start3A_320, %dma_start3A_321] : memref<2x128x64xf32, #tpu.memory_space<vmem>> -> memref<1x128x64xf32, #tpu.memory_space<vmem>>
      %dma_start3A_323 = tpu.memref_squeeze %dma_start3A_322 : memref<1x128x64xf32, #tpu.memory_space<vmem>> -> memref<128x64xf32, #tpu.memory_space<vmem>>
      %dma_start3A_324 = arith.constant 0 : i32
      %dma_start3A_325 = tpu.memref_slice %arg10[%run_scoped3A_133, %dma_start3A_324] : memref<5x128xi32, #tpu.memory_space<vmem>> -> memref<1x128xi32, #tpu.memory_space<vmem>>
      %dma_start3A_326 = tpu.memref_squeeze %dma_start3A_325 : memref<1x128xi32, #tpu.memory_space<vmem>> -> memref<128xi32, #tpu.memory_space<vmem>>
      %dma_start3A_327 = arith.constant 0 : i32
      %dma_start3A_328 = arith.constant 0 : i32
      %dma_start3A_329 = tpu.memref_slice %arg13[%dma_start3A_327, %dma_start3A_328] : memref<10112x64xf32, #tpu.memory_space<vmem_shared>> -> memref<10112x64xf32, #tpu.memory_space<vmem_shared>>
      tpu.enqueue_indirect_dma source(%dma_start3A_323 : memref<128x64xf32, #tpu.memory_space<vmem>>) target(%dma_start3A_329 : memref<10112x64xf32, #tpu.memory_space<vmem_shared>>) offsets(%dma_start3A_326 : memref<128xi32, #tpu.memory_space<vmem>>) semaphore(%run_scoped3A_319 : memref<!tpu.dma_semaphore, #tpu.memory_space<semaphore_mem>>) {add = true}
      %dma_wait3A_330 = arith.constant 0 : i32
      %dma_wait3A_331 = arith.constant 0 : i32
      %dma_wait3A_332 = tpu.memref_slice %arg11[%run_scoped3A, %dma_wait3A_330, %dma_wait3A_331] : memref<2x128x64xf32, #tpu.memory_space<vmem>> -> memref<1x128x64xf32, #tpu.memory_space<vmem>>
      %dma_wait3A_333 = tpu.memref_squeeze %dma_wait3A_332 : memref<1x128x64xf32, #tpu.memory_space<vmem>> -> memref<128x64xf32, #tpu.memory_space<vmem>>
      %dma_wait3A_334 = arith.constant 0 : i32
      %dma_wait3A_335 = tpu.memref_slice %arg10[%run_scoped3A_133, %dma_wait3A_334] : memref<5x128xi32, #tpu.memory_space<vmem>> -> memref<1x128xi32, #tpu.memory_space<vmem>>
      %dma_wait3A_336 = tpu.memref_squeeze %dma_wait3A_335 : memref<1x128xi32, #tpu.memory_space<vmem>> -> memref<128xi32, #tpu.memory_space<vmem>>
      %dma_wait3A_337 = arith.constant 0 : i32
      %dma_wait3A_338 = arith.constant 0 : i32
      %dma_wait3A_339 = tpu.memref_slice %arg13[%dma_wait3A_337, %dma_wait3A_338] : memref<10112x64xf32, #tpu.memory_space<vmem_shared>> -> memref<10112x64xf32, #tpu.memory_space<vmem_shared>>
      tpu.wait_indirect_dma semaphore(%run_scoped3A_319 : memref<!tpu.dma_semaphore, #tpu.memory_space<semaphore_mem>>) src(%dma_wait3A_333 : memref<128x64xf32, #tpu.memory_space<vmem>>) dst(%dma_wait3A_339 : memref<10112x64xf32, #tpu.memory_space<vmem_shared>>)
      tpu.yield
    }) : () -> ()
    %mul3A_134 = arith.constant 632 : i32
    %mul3A_135 = arith.muli %arg1, %mul3A_134 : i32
    %add3A_136 = arith.constant 128 : i32
    %add3A_137 = arith.addi %mul3A_135, %add3A_136 : i32
    %dma_wait3A_138 = arith.constant 1 : i32
    %dma_wait3A_139 = arith.constant 1 : i32
    %dma_wait3A_140 = arith.constant 0 : i32
    %dma_wait3A_141 = arith.constant 0 : i32
    %dma_wait3A_142 = tpu.memref_slice %arg11[%dma_wait3A_139, %dma_wait3A_140, %dma_wait3A_141] : memref<2x128x64xf32, #tpu.memory_space<vmem>> -> memref<1x128x64xf32, #tpu.memory_space<vmem>>
    %dma_wait3A_143 = tpu.memref_squeeze %dma_wait3A_142 : memref<1x128x64xf32, #tpu.memory_space<vmem>> -> memref<128x64xf32, #tpu.memory_space<vmem>>
    %dma_wait3A_144 = arith.constant 0 : i32
    %dma_wait3A_145 = tpu.memref_slice %arg2[%dma_wait3A_138, %add3A_137, %dma_wait3A_144] : memref<2x10112x64xf32, #tpu.memory_space<hbm>> -> memref<1x128x64xf32, #tpu.memory_space<hbm>>
    %dma_wait3A_146 = tpu.memref_squeeze %dma_wait3A_145 : memref<1x128x64xf32, #tpu.memory_space<hbm>> -> memref<128x64xf32, #tpu.memory_space<hbm>>
    %dma_wait3A_147 = arith.constant 0 : i32
    %dma_wait3A_148 = arith.constant 0 : i32
    %dma_wait3A_149 = tpu.memref_slice %arg11[%dma_wait3A_139, %dma_wait3A_147, %dma_wait3A_148] : memref<2x128x64xf32, #tpu.memory_space<vmem>> -> memref<1x128x64xf32, #tpu.memory_space<vmem>>
    %dma_wait3A_150 = tpu.memref_squeeze %dma_wait3A_149 : memref<1x128x64xf32, #tpu.memory_space<vmem>> -> memref<128x64xf32, #tpu.memory_space<vmem>>
    %dma_wait3A_151 = arith.constant 0 : i32
    %dma_wait3A_152 = tpu.memref_slice %arg2[%dma_wait3A_138, %add3A_137, %dma_wait3A_151] : memref<2x10112x64xf32, #tpu.memory_space<hbm>> -> memref<1x128x64xf32, #tpu.memory_space<hbm>>
    %dma_wait3A_153 = tpu.memref_squeeze %dma_wait3A_152 : memref<1x128x64xf32, #tpu.memory_space<hbm>> -> memref<128x64xf32, #tpu.memory_space<hbm>>
    tpu.wait_dma2 semaphore(%arg15 : memref<!tpu.dma_semaphore, #tpu.memory_space<semaphore_mem>>) src(%dma_wait3A_153 : memref<128x64xf32, #tpu.memory_space<hbm>>) dst(%dma_wait3A_150 : memref<128x64xf32, #tpu.memory_space<vmem>>)
    %mul3A_154 = arith.constant 632 : i32
    %mul3A_155 = arith.muli %arg1, %mul3A_154 : i32
    %add3A_156 = arith.constant 256 : i32
    %add3A_157 = arith.addi %mul3A_155, %add3A_156 : i32
    %dma_start3A_158 = arith.constant 1 : i32
    %dma_start3A_159 = arith.constant 0 : i32
    %dma_start3A_160 = arith.constant 0 : i32
    %dma_start3A_161 = arith.constant 0 : i32
    %dma_start3A_162 = tpu.memref_slice %arg11[%dma_start3A_159, %dma_start3A_160, %dma_start3A_161] : memref<2x128x64xf32, #tpu.memory_space<vmem>> -> memref<1x128x64xf32, #tpu.memory_space<vmem>>
    %dma_start3A_163 = tpu.memref_squeeze %dma_start3A_162 : memref<1x128x64xf32, #tpu.memory_space<vmem>> -> memref<128x64xf32, #tpu.memory_space<vmem>>
    %dma_start3A_164 = arith.constant 0 : i32
    %dma_start3A_165 = tpu.memref_slice %arg2[%dma_start3A_158, %add3A_157, %dma_start3A_164] : memref<2x10112x64xf32, #tpu.memory_space<hbm>> -> memref<1x128x64xf32, #tpu.memory_space<hbm>>
    %dma_start3A_166 = tpu.memref_squeeze %dma_start3A_165 : memref<1x128x64xf32, #tpu.memory_space<hbm>> -> memref<128x64xf32, #tpu.memory_space<hbm>>
    %dma_start3A_167 = arith.constant 0 : i32
    %dma_start3A_168 = arith.constant 0 : i32
    %dma_start3A_169 = tpu.memref_slice %arg11[%dma_start3A_159, %dma_start3A_167, %dma_start3A_168] : memref<2x128x64xf32, #tpu.memory_space<vmem>> -> memref<1x128x64xf32, #tpu.memory_space<vmem>>
    %dma_start3A_170 = tpu.memref_squeeze %dma_start3A_169 : memref<1x128x64xf32, #tpu.memory_space<vmem>> -> memref<128x64xf32, #tpu.memory_space<vmem>>
    %dma_start3A_171 = arith.constant 0 : i32
    %dma_start3A_172 = tpu.memref_slice %arg2[%dma_start3A_158, %add3A_157, %dma_start3A_171] : memref<2x10112x64xf32, #tpu.memory_space<hbm>> -> memref<1x128x64xf32, #tpu.memory_space<hbm>>
    %dma_start3A_173 = tpu.memref_squeeze %dma_start3A_172 : memref<1x128x64xf32, #tpu.memory_space<hbm>> -> memref<128x64xf32, #tpu.memory_space<hbm>>
    tpu.enqueue_dma source(%dma_start3A_173 : memref<128x64xf32, #tpu.memory_space<hbm>>) target(%dma_start3A_170 : memref<128x64xf32, #tpu.memory_space<vmem>>) target_semaphore(%arg14 : memref<!tpu.dma_semaphore, #tpu.memory_space<semaphore_mem>>)
    %run_scoped3A_174 = arith.constant 1 : i32
    %run_scoped3A_175 = arith.constant 1 : i32
    "tpu.region"() ({
      %run_scoped3A_319 = tpu.sem_alloc : memref<!tpu.dma_semaphore, #tpu.memory_space<semaphore_mem>>
      %dma_start3A_320 = arith.constant 0 : i32
      %dma_start3A_321 = arith.constant 0 : i32
      %dma_start3A_322 = tpu.memref_slice %arg11[%run_scoped3A_174, %dma_start3A_320, %dma_start3A_321] : memref<2x128x64xf32, #tpu.memory_space<vmem>> -> memref<1x128x64xf32, #tpu.memory_space<vmem>>
      %dma_start3A_323 = tpu.memref_squeeze %dma_start3A_322 : memref<1x128x64xf32, #tpu.memory_space<vmem>> -> memref<128x64xf32, #tpu.memory_space<vmem>>
      %dma_start3A_324 = arith.constant 0 : i32
      %dma_start3A_325 = tpu.memref_slice %arg10[%run_scoped3A_175, %dma_start3A_324] : memref<5x128xi32, #tpu.memory_space<vmem>> -> memref<1x128xi32, #tpu.memory_space<vmem>>
      %dma_start3A_326 = tpu.memref_squeeze %dma_start3A_325 : memref<1x128xi32, #tpu.memory_space<vmem>> -> memref<128xi32, #tpu.memory_space<vmem>>
      %dma_start3A_327 = arith.constant 0 : i32
      %dma_start3A_328 = arith.constant 0 : i32
      %dma_start3A_329 = tpu.memref_slice %arg13[%dma_start3A_327, %dma_start3A_328] : memref<10112x64xf32, #tpu.memory_space<vmem_shared>> -> memref<10112x64xf32, #tpu.memory_space<vmem_shared>>
      tpu.enqueue_indirect_dma source(%dma_start3A_323 : memref<128x64xf32, #tpu.memory_space<vmem>>) target(%dma_start3A_329 : memref<10112x64xf32, #tpu.memory_space<vmem_shared>>) offsets(%dma_start3A_326 : memref<128xi32, #tpu.memory_space<vmem>>) semaphore(%run_scoped3A_319 : memref<!tpu.dma_semaphore, #tpu.memory_space<semaphore_mem>>) {add = true}
      %dma_wait3A_330 = arith.constant 0 : i32
      %dma_wait3A_331 = arith.constant 0 : i32
      %dma_wait3A_332 = tpu.memref_slice %arg11[%run_scoped3A_174, %dma_wait3A_330, %dma_wait3A_331] : memref<2x128x64xf32, #tpu.memory_space<vmem>> -> memref<1x128x64xf32, #tpu.memory_space<vmem>>
      %dma_wait3A_333 = tpu.memref_squeeze %dma_wait3A_332 : memref<1x128x64xf32, #tpu.memory_space<vmem>> -> memref<128x64xf32, #tpu.memory_space<vmem>>
      %dma_wait3A_334 = arith.constant 0 : i32
      %dma_wait3A_335 = tpu.memref_slice %arg10[%run_scoped3A_175, %dma_wait3A_334] : memref<5x128xi32, #tpu.memory_space<vmem>> -> memref<1x128xi32, #tpu.memory_space<vmem>>
      %dma_wait3A_336 = tpu.memref_squeeze %dma_wait3A_335 : memref<1x128xi32, #tpu.memory_space<vmem>> -> memref<128xi32, #tpu.memory_space<vmem>>
      %dma_wait3A_337 = arith.constant 0 : i32
      %dma_wait3A_338 = arith.constant 0 : i32
      %dma_wait3A_339 = tpu.memref_slice %arg13[%dma_wait3A_337, %dma_wait3A_338] : memref<10112x64xf32, #tpu.memory_space<vmem_shared>> -> memref<10112x64xf32, #tpu.memory_space<vmem_shared>>
      tpu.wait_indirect_dma semaphore(%run_scoped3A_319 : memref<!tpu.dma_semaphore, #tpu.memory_space<semaphore_mem>>) src(%dma_wait3A_333 : memref<128x64xf32, #tpu.memory_space<vmem>>) dst(%dma_wait3A_339 : memref<10112x64xf32, #tpu.memory_space<vmem_shared>>)
      tpu.yield
    }) : () -> ()
    %mul3A_176 = arith.constant 632 : i32
    %mul3A_177 = arith.muli %arg1, %mul3A_176 : i32
    %add3A_178 = arith.constant 256 : i32
    %add3A_179 = arith.addi %mul3A_177, %add3A_178 : i32
    %dma_wait3A_180 = arith.constant 1 : i32
    %dma_wait3A_181 = arith.constant 0 : i32
    %dma_wait3A_182 = arith.constant 0 : i32
    %dma_wait3A_183 = arith.constant 0 : i32
    %dma_wait3A_184 = tpu.memref_slice %arg11[%dma_wait3A_181, %dma_wait3A_182, %dma_wait3A_183] : memref<2x128x64xf32, #tpu.memory_space<vmem>> -> memref<1x128x64xf32, #tpu.memory_space<vmem>>
    %dma_wait3A_185 = tpu.memref_squeeze %dma_wait3A_184 : memref<1x128x64xf32, #tpu.memory_space<vmem>> -> memref<128x64xf32, #tpu.memory_space<vmem>>
    %dma_wait3A_186 = arith.constant 0 : i32
    %dma_wait3A_187 = tpu.memref_slice %arg2[%dma_wait3A_180, %add3A_179, %dma_wait3A_186] : memref<2x10112x64xf32, #tpu.memory_space<hbm>> -> memref<1x128x64xf32, #tpu.memory_space<hbm>>
    %dma_wait3A_188 = tpu.memref_squeeze %dma_wait3A_187 : memref<1x128x64xf32, #tpu.memory_space<hbm>> -> memref<128x64xf32, #tpu.memory_space<hbm>>
    %dma_wait3A_189 = arith.constant 0 : i32
    %dma_wait3A_190 = arith.constant 0 : i32
    %dma_wait3A_191 = tpu.memref_slice %arg11[%dma_wait3A_181, %dma_wait3A_189, %dma_wait3A_190] : memref<2x128x64xf32, #tpu.memory_space<vmem>> -> memref<1x128x64xf32, #tpu.memory_space<vmem>>
    %dma_wait3A_192 = tpu.memref_squeeze %dma_wait3A_191 : memref<1x128x64xf32, #tpu.memory_space<vmem>> -> memref<128x64xf32, #tpu.memory_space<vmem>>
    %dma_wait3A_193 = arith.constant 0 : i32
    %dma_wait3A_194 = tpu.memref_slice %arg2[%dma_wait3A_180, %add3A_179, %dma_wait3A_193] : memref<2x10112x64xf32, #tpu.memory_space<hbm>> -> memref<1x128x64xf32, #tpu.memory_space<hbm>>
    %dma_wait3A_195 = tpu.memref_squeeze %dma_wait3A_194 : memref<1x128x64xf32, #tpu.memory_space<hbm>> -> memref<128x64xf32, #tpu.memory_space<hbm>>
    tpu.wait_dma2 semaphore(%arg14 : memref<!tpu.dma_semaphore, #tpu.memory_space<semaphore_mem>>) src(%dma_wait3A_195 : memref<128x64xf32, #tpu.memory_space<hbm>>) dst(%dma_wait3A_192 : memref<128x64xf32, #tpu.memory_space<vmem>>)
    %mul3A_196 = arith.constant 632 : i32
    %mul3A_197 = arith.muli %arg1, %mul3A_196 : i32
    %add3A_198 = arith.constant 384 : i32
    %add3A_199 = arith.addi %mul3A_197, %add3A_198 : i32
    %dma_start3A_200 = arith.constant 1 : i32
    %dma_start3A_201 = arith.constant 1 : i32
    %dma_start3A_202 = arith.constant 0 : i32
    %dma_start3A_203 = arith.constant 0 : i32
    %dma_start3A_204 = tpu.memref_slice %arg11[%dma_start3A_201, %dma_start3A_202, %dma_start3A_203] : memref<2x128x64xf32, #tpu.memory_space<vmem>> -> memref<1x128x64xf32, #tpu.memory_space<vmem>>
    %dma_start3A_205 = tpu.memref_squeeze %dma_start3A_204 : memref<1x128x64xf32, #tpu.memory_space<vmem>> -> memref<128x64xf32, #tpu.memory_space<vmem>>
    %dma_start3A_206 = arith.constant 0 : i32
    %dma_start3A_207 = tpu.memref_slice %arg2[%dma_start3A_200, %add3A_199, %dma_start3A_206] : memref<2x10112x64xf32, #tpu.memory_space<hbm>> -> memref<1x128x64xf32, #tpu.memory_space<hbm>>
    %dma_start3A_208 = tpu.memref_squeeze %dma_start3A_207 : memref<1x128x64xf32, #tpu.memory_space<hbm>> -> memref<128x64xf32, #tpu.memory_space<hbm>>
    %dma_start3A_209 = arith.constant 0 : i32
    %dma_start3A_210 = arith.constant 0 : i32
    %dma_start3A_211 = tpu.memref_slice %arg11[%dma_start3A_201, %dma_start3A_209, %dma_start3A_210] : memref<2x128x64xf32, #tpu.memory_space<vmem>> -> memref<1x128x64xf32, #tpu.memory_space<vmem>>
    %dma_start3A_212 = tpu.memref_squeeze %dma_start3A_211 : memref<1x128x64xf32, #tpu.memory_space<vmem>> -> memref<128x64xf32, #tpu.memory_space<vmem>>
    %dma_start3A_213 = arith.constant 0 : i32
    %dma_start3A_214 = tpu.memref_slice %arg2[%dma_start3A_200, %add3A_199, %dma_start3A_213] : memref<2x10112x64xf32, #tpu.memory_space<hbm>> -> memref<1x128x64xf32, #tpu.memory_space<hbm>>
    %dma_start3A_215 = tpu.memref_squeeze %dma_start3A_214 : memref<1x128x64xf32, #tpu.memory_space<hbm>> -> memref<128x64xf32, #tpu.memory_space<hbm>>
    tpu.enqueue_dma source(%dma_start3A_215 : memref<128x64xf32, #tpu.memory_space<hbm>>) target(%dma_start3A_212 : memref<128x64xf32, #tpu.memory_space<vmem>>) target_semaphore(%arg15 : memref<!tpu.dma_semaphore, #tpu.memory_space<semaphore_mem>>)
    %run_scoped3A_216 = arith.constant 0 : i32
    %run_scoped3A_217 = arith.constant 2 : i32
    "tpu.region"() ({
      %run_scoped3A_319 = tpu.sem_alloc : memref<!tpu.dma_semaphore, #tpu.memory_space<semaphore_mem>>
      %dma_start3A_320 = arith.constant 0 : i32
      %dma_start3A_321 = arith.constant 0 : i32
      %dma_start3A_322 = tpu.memref_slice %arg11[%run_scoped3A_216, %dma_start3A_320, %dma_start3A_321] : memref<2x128x64xf32, #tpu.memory_space<vmem>> -> memref<1x128x64xf32, #tpu.memory_space<vmem>>
      %dma_start3A_323 = tpu.memref_squeeze %dma_start3A_322 : memref<1x128x64xf32, #tpu.memory_space<vmem>> -> memref<128x64xf32, #tpu.memory_space<vmem>>
      %dma_start3A_324 = arith.constant 0 : i32
      %dma_start3A_325 = tpu.memref_slice %arg10[%run_scoped3A_217, %dma_start3A_324] : memref<5x128xi32, #tpu.memory_space<vmem>> -> memref<1x128xi32, #tpu.memory_space<vmem>>
      %dma_start3A_326 = tpu.memref_squeeze %dma_start3A_325 : memref<1x128xi32, #tpu.memory_space<vmem>> -> memref<128xi32, #tpu.memory_space<vmem>>
      %dma_start3A_327 = arith.constant 0 : i32
      %dma_start3A_328 = arith.constant 0 : i32
      %dma_start3A_329 = tpu.memref_slice %arg13[%dma_start3A_327, %dma_start3A_328] : memref<10112x64xf32, #tpu.memory_space<vmem_shared>> -> memref<10112x64xf32, #tpu.memory_space<vmem_shared>>
      tpu.enqueue_indirect_dma source(%dma_start3A_323 : memref<128x64xf32, #tpu.memory_space<vmem>>) target(%dma_start3A_329 : memref<10112x64xf32, #tpu.memory_space<vmem_shared>>) offsets(%dma_start3A_326 : memref<128xi32, #tpu.memory_space<vmem>>) semaphore(%run_scoped3A_319 : memref<!tpu.dma_semaphore, #tpu.memory_space<semaphore_mem>>) {add = true}
      %dma_wait3A_330 = arith.constant 0 : i32
      %dma_wait3A_331 = arith.constant 0 : i32
      %dma_wait3A_332 = tpu.memref_slice %arg11[%run_scoped3A_216, %dma_wait3A_330, %dma_wait3A_331] : memref<2x128x64xf32, #tpu.memory_space<vmem>> -> memref<1x128x64xf32, #tpu.memory_space<vmem>>
      %dma_wait3A_333 = tpu.memref_squeeze %dma_wait3A_332 : memref<1x128x64xf32, #tpu.memory_space<vmem>> -> memref<128x64xf32, #tpu.memory_space<vmem>>
      %dma_wait3A_334 = arith.constant 0 : i32
      %dma_wait3A_335 = tpu.memref_slice %arg10[%run_scoped3A_217, %dma_wait3A_334] : memref<5x128xi32, #tpu.memory_space<vmem>> -> memref<1x128xi32, #tpu.memory_space<vmem>>
      %dma_wait3A_336 = tpu.memref_squeeze %dma_wait3A_335 : memref<1x128xi32, #tpu.memory_space<vmem>> -> memref<128xi32, #tpu.memory_space<vmem>>
      %dma_wait3A_337 = arith.constant 0 : i32
      %dma_wait3A_338 = arith.constant 0 : i32
      %dma_wait3A_339 = tpu.memref_slice %arg13[%dma_wait3A_337, %dma_wait3A_338] : memref<10112x64xf32, #tpu.memory_space<vmem_shared>> -> memref<10112x64xf32, #tpu.memory_space<vmem_shared>>
      tpu.wait_indirect_dma semaphore(%run_scoped3A_319 : memref<!tpu.dma_semaphore, #tpu.memory_space<semaphore_mem>>) src(%dma_wait3A_333 : memref<128x64xf32, #tpu.memory_space<vmem>>) dst(%dma_wait3A_339 : memref<10112x64xf32, #tpu.memory_space<vmem_shared>>)
      tpu.yield
    }) : () -> ()
    %mul3A_218 = arith.constant 632 : i32
    %mul3A_219 = arith.muli %arg1, %mul3A_218 : i32
    %add3A_220 = arith.constant 384 : i32
    %add3A_221 = arith.addi %mul3A_219, %add3A_220 : i32
    %dma_wait3A_222 = arith.constant 1 : i32
    %dma_wait3A_223 = arith.constant 1 : i32
    %dma_wait3A_224 = arith.constant 0 : i32
    %dma_wait3A_225 = arith.constant 0 : i32
    %dma_wait3A_226 = tpu.memref_slice %arg11[%dma_wait3A_223, %dma_wait3A_224, %dma_wait3A_225] : memref<2x128x64xf32, #tpu.memory_space<vmem>> -> memref<1x128x64xf32, #tpu.memory_space<vmem>>
    %dma_wait3A_227 = tpu.memref_squeeze %dma_wait3A_226 : memref<1x128x64xf32, #tpu.memory_space<vmem>> -> memref<128x64xf32, #tpu.memory_space<vmem>>
    %dma_wait3A_228 = arith.constant 0 : i32
    %dma_wait3A_229 = tpu.memref_slice %arg2[%dma_wait3A_222, %add3A_221, %dma_wait3A_228] : memref<2x10112x64xf32, #tpu.memory_space<hbm>> -> memref<1x128x64xf32, #tpu.memory_space<hbm>>
    %dma_wait3A_230 = tpu.memref_squeeze %dma_wait3A_229 : memref<1x128x64xf32, #tpu.memory_space<hbm>> -> memref<128x64xf32, #tpu.memory_space<hbm>>
    %dma_wait3A_231 = arith.constant 0 : i32
    %dma_wait3A_232 = arith.constant 0 : i32
    %dma_wait3A_233 = tpu.memref_slice %arg11[%dma_wait3A_223, %dma_wait3A_231, %dma_wait3A_232] : memref<2x128x64xf32, #tpu.memory_space<vmem>> -> memref<1x128x64xf32, #tpu.memory_space<vmem>>
    %dma_wait3A_234 = tpu.memref_squeeze %dma_wait3A_233 : memref<1x128x64xf32, #tpu.memory_space<vmem>> -> memref<128x64xf32, #tpu.memory_space<vmem>>
    %dma_wait3A_235 = arith.constant 0 : i32
    %dma_wait3A_236 = tpu.memref_slice %arg2[%dma_wait3A_222, %add3A_221, %dma_wait3A_235] : memref<2x10112x64xf32, #tpu.memory_space<hbm>> -> memref<1x128x64xf32, #tpu.memory_space<hbm>>
    %dma_wait3A_237 = tpu.memref_squeeze %dma_wait3A_236 : memref<1x128x64xf32, #tpu.memory_space<hbm>> -> memref<128x64xf32, #tpu.memory_space<hbm>>
    tpu.wait_dma2 semaphore(%arg15 : memref<!tpu.dma_semaphore, #tpu.memory_space<semaphore_mem>>) src(%dma_wait3A_237 : memref<128x64xf32, #tpu.memory_space<hbm>>) dst(%dma_wait3A_234 : memref<128x64xf32, #tpu.memory_space<vmem>>)
    %mul3A_238 = arith.constant 632 : i32
    %mul3A_239 = arith.muli %arg1, %mul3A_238 : i32
    %add3A_240 = arith.constant 512 : i32
    %add3A_241 = arith.addi %mul3A_239, %add3A_240 : i32
    %dma_start3A_242 = arith.constant 1 : i32
    %dma_start3A_243 = arith.constant 0 : i32
    %dma_start3A_244 = arith.constant 0 : i32
    %dma_start3A_245 = arith.constant 0 : i32
    %dma_start3A_246 = tpu.memref_slice %arg11[%dma_start3A_243, %dma_start3A_244, %dma_start3A_245] : memref<2x128x64xf32, #tpu.memory_space<vmem>> -> memref<1x120x64xf32, #tpu.memory_space<vmem>>
    %dma_start3A_247 = tpu.memref_squeeze %dma_start3A_246 : memref<1x120x64xf32, #tpu.memory_space<vmem>> -> memref<120x64xf32, #tpu.memory_space<vmem>>
    %dma_start3A_248 = arith.constant 0 : i32
    %dma_start3A_249 = tpu.memref_slice %arg2[%dma_start3A_242, %add3A_241, %dma_start3A_248] : memref<2x10112x64xf32, #tpu.memory_space<hbm>> -> memref<1x120x64xf32, #tpu.memory_space<hbm>>
    %dma_start3A_250 = tpu.memref_squeeze %dma_start3A_249 : memref<1x120x64xf32, #tpu.memory_space<hbm>> -> memref<120x64xf32, #tpu.memory_space<hbm>>
    %dma_start3A_251 = arith.constant 0 : i32
    %dma_start3A_252 = arith.constant 0 : i32
    %dma_start3A_253 = tpu.memref_slice %arg11[%dma_start3A_243, %dma_start3A_251, %dma_start3A_252] : memref<2x128x64xf32, #tpu.memory_space<vmem>> -> memref<1x120x64xf32, #tpu.memory_space<vmem>>
    %dma_start3A_254 = tpu.memref_squeeze %dma_start3A_253 : memref<1x120x64xf32, #tpu.memory_space<vmem>> -> memref<120x64xf32, #tpu.memory_space<vmem>>
    %dma_start3A_255 = arith.constant 0 : i32
    %dma_start3A_256 = tpu.memref_slice %arg2[%dma_start3A_242, %add3A_241, %dma_start3A_255] : memref<2x10112x64xf32, #tpu.memory_space<hbm>> -> memref<1x120x64xf32, #tpu.memory_space<hbm>>
    %dma_start3A_257 = tpu.memref_squeeze %dma_start3A_256 : memref<1x120x64xf32, #tpu.memory_space<hbm>> -> memref<120x64xf32, #tpu.memory_space<hbm>>
    tpu.enqueue_dma source(%dma_start3A_257 : memref<120x64xf32, #tpu.memory_space<hbm>>) target(%dma_start3A_254 : memref<120x64xf32, #tpu.memory_space<vmem>>) target_semaphore(%arg14 : memref<!tpu.dma_semaphore, #tpu.memory_space<semaphore_mem>>)
    %run_scoped3A_258 = arith.constant 1 : i32
    %run_scoped3A_259 = arith.constant 3 : i32
    "tpu.region"() ({
      %run_scoped3A_319 = tpu.sem_alloc : memref<!tpu.dma_semaphore, #tpu.memory_space<semaphore_mem>>
      %dma_start3A_320 = arith.constant 0 : i32
      %dma_start3A_321 = arith.constant 0 : i32
      %dma_start3A_322 = tpu.memref_slice %arg11[%run_scoped3A_258, %dma_start3A_320, %dma_start3A_321] : memref<2x128x64xf32, #tpu.memory_space<vmem>> -> memref<1x128x64xf32, #tpu.memory_space<vmem>>
      %dma_start3A_323 = tpu.memref_squeeze %dma_start3A_322 : memref<1x128x64xf32, #tpu.memory_space<vmem>> -> memref<128x64xf32, #tpu.memory_space<vmem>>
      %dma_start3A_324 = arith.constant 0 : i32
      %dma_start3A_325 = tpu.memref_slice %arg10[%run_scoped3A_259, %dma_start3A_324] : memref<5x128xi32, #tpu.memory_space<vmem>> -> memref<1x128xi32, #tpu.memory_space<vmem>>
      %dma_start3A_326 = tpu.memref_squeeze %dma_start3A_325 : memref<1x128xi32, #tpu.memory_space<vmem>> -> memref<128xi32, #tpu.memory_space<vmem>>
      %dma_start3A_327 = arith.constant 0 : i32
      %dma_start3A_328 = arith.constant 0 : i32
      %dma_start3A_329 = tpu.memref_slice %arg13[%dma_start3A_327, %dma_start3A_328] : memref<10112x64xf32, #tpu.memory_space<vmem_shared>> -> memref<10112x64xf32, #tpu.memory_space<vmem_shared>>
      tpu.enqueue_indirect_dma source(%dma_start3A_323 : memref<128x64xf32, #tpu.memory_space<vmem>>) target(%dma_start3A_329 : memref<10112x64xf32, #tpu.memory_space<vmem_shared>>) offsets(%dma_start3A_326 : memref<128xi32, #tpu.memory_space<vmem>>) semaphore(%run_scoped3A_319 : memref<!tpu.dma_semaphore, #tpu.memory_space<semaphore_mem>>) {add = true}
      %dma_wait3A_330 = arith.constant 0 : i32
      %dma_wait3A_331 = arith.constant 0 : i32
      %dma_wait3A_332 = tpu.memref_slice %arg11[%run_scoped3A_258, %dma_wait3A_330, %dma_wait3A_331] : memref<2x128x64xf32, #tpu.memory_space<vmem>> -> memref<1x128x64xf32, #tpu.memory_space<vmem>>
      %dma_wait3A_333 = tpu.memref_squeeze %dma_wait3A_332 : memref<1x128x64xf32, #tpu.memory_space<vmem>> -> memref<128x64xf32, #tpu.memory_space<vmem>>
      %dma_wait3A_334 = arith.constant 0 : i32
      %dma_wait3A_335 = tpu.memref_slice %arg10[%run_scoped3A_259, %dma_wait3A_334] : memref<5x128xi32, #tpu.memory_space<vmem>> -> memref<1x128xi32, #tpu.memory_space<vmem>>
      %dma_wait3A_336 = tpu.memref_squeeze %dma_wait3A_335 : memref<1x128xi32, #tpu.memory_space<vmem>> -> memref<128xi32, #tpu.memory_space<vmem>>
      %dma_wait3A_337 = arith.constant 0 : i32
      %dma_wait3A_338 = arith.constant 0 : i32
      %dma_wait3A_339 = tpu.memref_slice %arg13[%dma_wait3A_337, %dma_wait3A_338] : memref<10112x64xf32, #tpu.memory_space<vmem_shared>> -> memref<10112x64xf32, #tpu.memory_space<vmem_shared>>
      tpu.wait_indirect_dma semaphore(%run_scoped3A_319 : memref<!tpu.dma_semaphore, #tpu.memory_space<semaphore_mem>>) src(%dma_wait3A_333 : memref<128x64xf32, #tpu.memory_space<vmem>>) dst(%dma_wait3A_339 : memref<10112x64xf32, #tpu.memory_space<vmem_shared>>)
      tpu.yield
    }) : () -> ()
    %mul3A_260 = arith.constant 632 : i32
    %mul3A_261 = arith.muli %arg1, %mul3A_260 : i32
    %add3A_262 = arith.constant 512 : i32
    %add3A_263 = arith.addi %mul3A_261, %add3A_262 : i32
    %dma_wait3A_264 = arith.constant 1 : i32
    %dma_wait3A_265 = arith.constant 0 : i32
    %dma_wait3A_266 = arith.constant 0 : i32
    %dma_wait3A_267 = arith.constant 0 : i32
    %dma_wait3A_268 = tpu.memref_slice %arg11[%dma_wait3A_265, %dma_wait3A_266, %dma_wait3A_267] : memref<2x128x64xf32, #tpu.memory_space<vmem>> -> memref<1x120x64xf32, #tpu.memory_space<vmem>>
    %dma_wait3A_269 = tpu.memref_squeeze %dma_wait3A_268 : memref<1x120x64xf32, #tpu.memory_space<vmem>> -> memref<120x64xf32, #tpu.memory_space<vmem>>
    %dma_wait3A_270 = arith.constant 0 : i32
    %dma_wait3A_271 = tpu.memref_slice %arg2[%dma_wait3A_264, %add3A_263, %dma_wait3A_270] : memref<2x10112x64xf32, #tpu.memory_space<hbm>> -> memref<1x120x64xf32, #tpu.memory_space<hbm>>
    %dma_wait3A_272 = tpu.memref_squeeze %dma_wait3A_271 : memref<1x120x64xf32, #tpu.memory_space<hbm>> -> memref<120x64xf32, #tpu.memory_space<hbm>>
    %dma_wait3A_273 = arith.constant 0 : i32
    %dma_wait3A_274 = arith.constant 0 : i32
    %dma_wait3A_275 = tpu.memref_slice %arg11[%dma_wait3A_265, %dma_wait3A_273, %dma_wait3A_274] : memref<2x128x64xf32, #tpu.memory_space<vmem>> -> memref<1x120x64xf32, #tpu.memory_space<vmem>>
    %dma_wait3A_276 = tpu.memref_squeeze %dma_wait3A_275 : memref<1x120x64xf32, #tpu.memory_space<vmem>> -> memref<120x64xf32, #tpu.memory_space<vmem>>
    %dma_wait3A_277 = arith.constant 0 : i32
    %dma_wait3A_278 = tpu.memref_slice %arg2[%dma_wait3A_264, %add3A_263, %dma_wait3A_277] : memref<2x10112x64xf32, #tpu.memory_space<hbm>> -> memref<1x120x64xf32, #tpu.memory_space<hbm>>
    %dma_wait3A_279 = tpu.memref_squeeze %dma_wait3A_278 : memref<1x120x64xf32, #tpu.memory_space<hbm>> -> memref<120x64xf32, #tpu.memory_space<hbm>>
    tpu.wait_dma2 semaphore(%arg14 : memref<!tpu.dma_semaphore, #tpu.memory_space<semaphore_mem>>) src(%dma_wait3A_279 : memref<120x64xf32, #tpu.memory_space<hbm>>) dst(%dma_wait3A_276 : memref<120x64xf32, #tpu.memory_space<vmem>>)
    %run_scoped3A_280 = arith.constant 0 : i32
    %run_scoped3A_281 = arith.constant 4 : i32
    "tpu.region"() ({
      %run_scoped3A_319 = tpu.sem_alloc : memref<!tpu.dma_semaphore, #tpu.memory_space<semaphore_mem>>
      %dma_start3A_320 = arith.constant 0 : i32
      %dma_start3A_321 = arith.constant 0 : i32
      %dma_start3A_322 = tpu.memref_slice %arg11[%run_scoped3A_280, %dma_start3A_320, %dma_start3A_321] : memref<2x128x64xf32, #tpu.memory_space<vmem>> -> memref<1x128x64xf32, #tpu.memory_space<vmem>>
      %dma_start3A_323 = tpu.memref_squeeze %dma_start3A_322 : memref<1x128x64xf32, #tpu.memory_space<vmem>> -> memref<128x64xf32, #tpu.memory_space<vmem>>
      %dma_start3A_324 = arith.constant 0 : i32
      %dma_start3A_325 = tpu.memref_slice %arg10[%run_scoped3A_281, %dma_start3A_324] : memref<5x128xi32, #tpu.memory_space<vmem>> -> memref<1x128xi32, #tpu.memory_space<vmem>>
      %dma_start3A_326 = tpu.memref_squeeze %dma_start3A_325 : memref<1x128xi32, #tpu.memory_space<vmem>> -> memref<128xi32, #tpu.memory_space<vmem>>
      %dma_start3A_327 = arith.constant 0 : i32
      %dma_start3A_328 = arith.constant 0 : i32
      %dma_start3A_329 = tpu.memref_slice %arg13[%dma_start3A_327, %dma_start3A_328] : memref<10112x64xf32, #tpu.memory_space<vmem_shared>> -> memref<10112x64xf32, #tpu.memory_space<vmem_shared>>
      tpu.enqueue_indirect_dma source(%dma_start3A_323 : memref<128x64xf32, #tpu.memory_space<vmem>>) target(%dma_start3A_329 : memref<10112x64xf32, #tpu.memory_space<vmem_shared>>) offsets(%dma_start3A_326 : memref<128xi32, #tpu.memory_space<vmem>>) semaphore(%run_scoped3A_319 : memref<!tpu.dma_semaphore, #tpu.memory_space<semaphore_mem>>) {add = true}
      %dma_wait3A_330 = arith.constant 0 : i32
      %dma_wait3A_331 = arith.constant 0 : i32
      %dma_wait3A_332 = tpu.memref_slice %arg11[%run_scoped3A_280, %dma_wait3A_330, %dma_wait3A_331] : memref<2x128x64xf32, #tpu.memory_space<vmem>> -> memref<1x128x64xf32, #tpu.memory_space<vmem>>
      %dma_wait3A_333 = tpu.memref_squeeze %dma_wait3A_332 : memref<1x128x64xf32, #tpu.memory_space<vmem>> -> memref<128x64xf32, #tpu.memory_space<vmem>>
      %dma_wait3A_334 = arith.constant 0 : i32
      %dma_wait3A_335 = tpu.memref_slice %arg10[%run_scoped3A_281, %dma_wait3A_334] : memref<5x128xi32, #tpu.memory_space<vmem>> -> memref<1x128xi32, #tpu.memory_space<vmem>>
      %dma_wait3A_336 = tpu.memref_squeeze %dma_wait3A_335 : memref<1x128xi32, #tpu.memory_space<vmem>> -> memref<128xi32, #tpu.memory_space<vmem>>
      %dma_wait3A_337 = arith.constant 0 : i32
      %dma_wait3A_338 = arith.constant 0 : i32
      %dma_wait3A_339 = tpu.memref_slice %arg13[%dma_wait3A_337, %dma_wait3A_338] : memref<10112x64xf32, #tpu.memory_space<vmem_shared>> -> memref<10112x64xf32, #tpu.memory_space<vmem_shared>>
      tpu.wait_indirect_dma semaphore(%run_scoped3A_319 : memref<!tpu.dma_semaphore, #tpu.memory_space<semaphore_mem>>) src(%dma_wait3A_333 : memref<128x64xf32, #tpu.memory_space<vmem>>) dst(%dma_wait3A_339 : memref<10112x64xf32, #tpu.memory_space<vmem_shared>>)
      tpu.yield
    }) : () -> ()
    %barrier3A = arith.constant 0 : index
    tpu.barrier barrier_id(%barrier3A)
    %eq3A = arith.constant 0 : i32
    %eq3A_282 = arith.cmpi eq, %arg0, %eq3A : i32
    %convert_element_type3A = arith.extui %eq3A_282 : i1 to i32
    %cond3A = arith.constant 0 : i32
    %cond3A_283 = arith.cmpi ne, %convert_element_type3A, %cond3A : i32
    scf.if %cond3A_283 {
      %dma_start3A_319 = arith.constant 0 : i32
      %dma_start3A_320 = tpu.memref_slice %arg7[%mul3A_2, %dma_start3A_319] : memref<10112x64xf32, #tpu.memory_space<hbm>> -> memref<632x64xf32, #tpu.memory_space<hbm>>
      %dma_start3A_321 = arith.constant 0 : i32
      %dma_start3A_322 = tpu.memref_slice %arg13[%mul3A_2, %dma_start3A_321] : memref<10112x64xf32, #tpu.memory_space<vmem_shared>> -> memref<632x64xf32, #tpu.memory_space<vmem_shared>>
      tpu.enqueue_dma source(%dma_start3A_322 : memref<632x64xf32, #tpu.memory_space<vmem_shared>>) target(%dma_start3A_320 : memref<632x64xf32, #tpu.memory_space<hbm>>) target_semaphore(%arg18 : memref<!tpu.dma_semaphore, #tpu.memory_space<semaphore_mem>>)
    } else {
    }
    %dma_start3A_284 = arith.constant 0 : i32
    %dma_start3A_285 = arith.constant 0 : i32
    %dma_start3A_286 = arith.constant 0 : i32
    %dma_start3A_287 = arith.constant 0 : i32
    %dma_start3A_288 = tpu.memref_slice %arg11[%dma_start3A_285, %dma_start3A_286, %dma_start3A_287] : memref<2x128x64xf32, #tpu.memory_space<vmem>> -> memref<1x128x64xf32, #tpu.memory_space<vmem>>
    %dma_start3A_289 = tpu.memref_squeeze %dma_start3A_288 : memref<1x128x64xf32, #tpu.memory_space<vmem>> -> memref<128x64xf32, #tpu.memory_space<vmem>>
    %dma_start3A_290 = arith.constant 0 : i32
    %dma_start3A_291 = tpu.memref_slice %arg8[%dma_start3A_284, %dma_start3A_290] : memref<40x128xi32, #tpu.memory_space<vmem>> -> memref<1x128xi32, #tpu.memory_space<vmem>>
    %dma_start3A_292 = tpu.memref_squeeze %dma_start3A_291 : memref<1x128xi32, #tpu.memory_space<vmem>> -> memref<128xi32, #tpu.memory_space<vmem>>
    %dma_start3A_293 = arith.constant 0 : i32
    %dma_start3A_294 = arith.constant 0 : i32
    %dma_start3A_295 = tpu.memref_slice %arg13[%dma_start3A_293, %dma_start3A_294] : memref<10112x64xf32, #tpu.memory_space<vmem_shared>> -> memref<10112x64xf32, #tpu.memory_space<vmem_shared>>
    tpu.enqueue_indirect_dma source(%dma_start3A_295 : memref<10112x64xf32, #tpu.memory_space<vmem_shared>>) target(%dma_start3A_289 : memref<128x64xf32, #tpu.memory_space<vmem>>) offsets(%dma_start3A_292 : memref<128xi32, #tpu.memory_space<vmem>>) semaphore(%arg14 : memref<!tpu.dma_semaphore, #tpu.memory_space<semaphore_mem>>)
    %dma_start3A_296 = arith.constant 1 : i32
    %dma_start3A_297 = arith.constant 1 : i32
    %dma_start3A_298 = arith.constant 0 : i32
    %dma_start3A_299 = arith.constant 0 : i32
    %dma_start3A_300 = tpu.memref_slice %arg11[%dma_start3A_297, %dma_start3A_298, %dma_start3A_299] : memref<2x128x64xf32, #tpu.memory_space<vmem>> -> memref<1x128x64xf32, #tpu.memory_space<vmem>>
    %dma_start3A_301 = tpu.memref_squeeze %dma_start3A_300 : memref<1x128x64xf32, #tpu.memory_space<vmem>> -> memref<128x64xf32, #tpu.memory_space<vmem>>
    %dma_start3A_302 = arith.constant 0 : i32
    %dma_start3A_303 = tpu.memref_slice %arg8[%dma_start3A_296, %dma_start3A_302] : memref<40x128xi32, #tpu.memory_space<vmem>> -> memref<1x128xi32, #tpu.memory_space<vmem>>
    %dma_start3A_304 = tpu.memref_squeeze %dma_start3A_303 : memref<1x128xi32, #tpu.memory_space<vmem>> -> memref<128xi32, #tpu.memory_space<vmem>>
    %dma_start3A_305 = arith.constant 0 : i32
    %dma_start3A_306 = arith.constant 0 : i32
    %dma_start3A_307 = tpu.memref_slice %arg13[%dma_start3A_305, %dma_start3A_306] : memref<10112x64xf32, #tpu.memory_space<vmem_shared>> -> memref<10112x64xf32, #tpu.memory_space<vmem_shared>>
    tpu.enqueue_indirect_dma source(%dma_start3A_307 : memref<10112x64xf32, #tpu.memory_space<vmem_shared>>) target(%dma_start3A_301 : memref<128x64xf32, #tpu.memory_space<vmem>>) offsets(%dma_start3A_304 : memref<128xi32, #tpu.memory_space<vmem>>) semaphore(%arg15 : memref<!tpu.dma_semaphore, #tpu.memory_space<semaphore_mem>>)
    %scan3A = arith.constant 0 : i32
    %scan3A_308 = arith.constant 0 : i32
    %scan3A_309 = arith.constant 20 : i32
    %scan3A_310 = arith.addi %scan3A_308, %scan3A_309 : i32
    %scan3A_311 = arith.constant 1 : i32
    scf.for %scan3A_319 = %scan3A_308 to %scan3A_310 step %scan3A_311  : i32 {
      %mul3A_320 = arith.constant 2 : i32
      %mul3A_321 = arith.muli %scan3A_319, %mul3A_320 : i32
      %add3A_322 = arith.constant 0 : i32
      %add3A_323 = arith.addi %mul3A_321, %add3A_322 : i32
      %dma_wait3A_324 = arith.constant 0 : i32
      %dma_wait3A_325 = arith.constant 0 : i32
      %dma_wait3A_326 = arith.constant 0 : i32
      %dma_wait3A_327 = tpu.memref_slice %arg11[%dma_wait3A_324, %dma_wait3A_325, %dma_wait3A_326] : memref<2x128x64xf32, #tpu.memory_space<vmem>> -> memref<1x128x64xf32, #tpu.memory_space<vmem>>
      %dma_wait3A_328 = tpu.memref_squeeze %dma_wait3A_327 : memref<1x128x64xf32, #tpu.memory_space<vmem>> -> memref<128x64xf32, #tpu.memory_space<vmem>>
      %dma_wait3A_329 = arith.constant 0 : i32
      %dma_wait3A_330 = tpu.memref_slice %arg8[%add3A_323, %dma_wait3A_329] : memref<40x128xi32, #tpu.memory_space<vmem>> -> memref<1x128xi32, #tpu.memory_space<vmem>>
      %dma_wait3A_331 = tpu.memref_squeeze %dma_wait3A_330 : memref<1x128xi32, #tpu.memory_space<vmem>> -> memref<128xi32, #tpu.memory_space<vmem>>
      %dma_wait3A_332 = arith.constant 0 : i32
      %dma_wait3A_333 = arith.constant 0 : i32
      %dma_wait3A_334 = tpu.memref_slice %arg13[%dma_wait3A_332, %dma_wait3A_333] : memref<10112x64xf32, #tpu.memory_space<vmem_shared>> -> memref<10112x64xf32, #tpu.memory_space<vmem_shared>>
      tpu.wait_indirect_dma semaphore(%arg14 : memref<!tpu.dma_semaphore, #tpu.memory_space<semaphore_mem>>) src(%dma_wait3A_334 : memref<10112x64xf32, #tpu.memory_space<vmem_shared>>) dst(%dma_wait3A_328 : memref<128x64xf32, #tpu.memory_space<vmem>>)
      %dma_start3A_335 = arith.constant 0 : i32
      %dma_start3A_336 = arith.constant 0 : i32
      %dma_start3A_337 = arith.constant 0 : i32
      %dma_start3A_338 = tpu.memref_slice %arg11[%dma_start3A_335, %dma_start3A_336, %dma_start3A_337] : memref<2x128x64xf32, #tpu.memory_space<vmem>> -> memref<1x128x64xf32, #tpu.memory_space<vmem>>
      %dma_start3A_339 = tpu.memref_squeeze %dma_start3A_338 : memref<1x128x64xf32, #tpu.memory_space<vmem>> -> memref<128x64xf32, #tpu.memory_space<vmem>>
      %dma_start3A_340 = arith.constant 0 : i32
      %dma_start3A_341 = tpu.memref_slice %arg9[%add3A_323, %dma_start3A_340] : memref<40x128xi32, #tpu.memory_space<vmem>> -> memref<1x128xi32, #tpu.memory_space<vmem>>
      %dma_start3A_342 = tpu.memref_squeeze %dma_start3A_341 : memref<1x128xi32, #tpu.memory_space<vmem>> -> memref<128xi32, #tpu.memory_space<vmem>>
      %dma_start3A_343 = arith.constant 0 : i32
      %dma_start3A_344 = arith.constant 0 : i32
      %dma_start3A_345 = tpu.memref_slice %arg12[%dma_start3A_343, %dma_start3A_344] : memref<10112x64xf32, #tpu.memory_space<vmem_shared>> -> memref<10112x64xf32, #tpu.memory_space<vmem_shared>>
      tpu.enqueue_indirect_dma source(%dma_start3A_339 : memref<128x64xf32, #tpu.memory_space<vmem>>) target(%dma_start3A_345 : memref<10112x64xf32, #tpu.memory_space<vmem_shared>>) offsets(%dma_start3A_342 : memref<128xi32, #tpu.memory_space<vmem>>) semaphore(%arg16 : memref<!tpu.dma_semaphore, #tpu.memory_space<semaphore_mem>>) {add = true}
      %mul3A_346 = arith.constant 2 : i32
      %mul3A_347 = arith.muli %scan3A_319, %mul3A_346 : i32
      %add3A_348 = arith.constant 1 : i32
      %add3A_349 = arith.addi %mul3A_347, %add3A_348 : i32
      %dma_wait3A_350 = arith.constant 1 : i32
      %dma_wait3A_351 = arith.constant 0 : i32
      %dma_wait3A_352 = arith.constant 0 : i32
      %dma_wait3A_353 = tpu.memref_slice %arg11[%dma_wait3A_350, %dma_wait3A_351, %dma_wait3A_352] : memref<2x128x64xf32, #tpu.memory_space<vmem>> -> memref<1x128x64xf32, #tpu.memory_space<vmem>>
      %dma_wait3A_354 = tpu.memref_squeeze %dma_wait3A_353 : memref<1x128x64xf32, #tpu.memory_space<vmem>> -> memref<128x64xf32, #tpu.memory_space<vmem>>
      %dma_wait3A_355 = arith.constant 0 : i32
      %dma_wait3A_356 = tpu.memref_slice %arg8[%add3A_349, %dma_wait3A_355] : memref<40x128xi32, #tpu.memory_space<vmem>> -> memref<1x128xi32, #tpu.memory_space<vmem>>
      %dma_wait3A_357 = tpu.memref_squeeze %dma_wait3A_356 : memref<1x128xi32, #tpu.memory_space<vmem>> -> memref<128xi32, #tpu.memory_space<vmem>>
      %dma_wait3A_358 = arith.constant 0 : i32
      %dma_wait3A_359 = arith.constant 0 : i32
      %dma_wait3A_360 = tpu.memref_slice %arg13[%dma_wait3A_358, %dma_wait3A_359] : memref<10112x64xf32, #tpu.memory_space<vmem_shared>> -> memref<10112x64xf32, #tpu.memory_space<vmem_shared>>
      tpu.wait_indirect_dma semaphore(%arg15 : memref<!tpu.dma_semaphore, #tpu.memory_space<semaphore_mem>>) src(%dma_wait3A_360 : memref<10112x64xf32, #tpu.memory_space<vmem_shared>>) dst(%dma_wait3A_354 : memref<128x64xf32, #tpu.memory_space<vmem>>)
      %dma_start3A_361 = arith.constant 1 : i32
      %dma_start3A_362 = arith.constant 0 : i32
      %dma_start3A_363 = arith.constant 0 : i32
      %dma_start3A_364 = tpu.memref_slice %arg11[%dma_start3A_361, %dma_start3A_362, %dma_start3A_363] : memref<2x128x64xf32, #tpu.memory_space<vmem>> -> memref<1x128x64xf32, #tpu.memory_space<vmem>>
      %dma_start3A_365 = tpu.memref_squeeze %dma_start3A_364 : memref<1x128x64xf32, #tpu.memory_space<vmem>> -> memref<128x64xf32, #tpu.memory_space<vmem>>
      %dma_start3A_366 = arith.constant 0 : i32
      %dma_start3A_367 = tpu.memref_slice %arg9[%add3A_349, %dma_start3A_366] : memref<40x128xi32, #tpu.memory_space<vmem>> -> memref<1x128xi32, #tpu.memory_space<vmem>>
      %dma_start3A_368 = tpu.memref_squeeze %dma_start3A_367 : memref<1x128xi32, #tpu.memory_space<vmem>> -> memref<128xi32, #tpu.memory_space<vmem>>
      %dma_start3A_369 = arith.constant 0 : i32
      %dma_start3A_370 = arith.constant 0 : i32
      %dma_start3A_371 = tpu.memref_slice %arg12[%dma_start3A_369, %dma_start3A_370] : memref<10112x64xf32, #tpu.memory_space<vmem_shared>> -> memref<10112x64xf32, #tpu.memory_space<vmem_shared>>
      tpu.enqueue_indirect_dma source(%dma_start3A_365 : memref<128x64xf32, #tpu.memory_space<vmem>>) target(%dma_start3A_371 : memref<10112x64xf32, #tpu.memory_space<vmem_shared>>) offsets(%dma_start3A_368 : memref<128xi32, #tpu.memory_space<vmem>>) semaphore(%arg17 : memref<!tpu.dma_semaphore, #tpu.memory_space<semaphore_mem>>) {add = true}
      %mul3A_372 = arith.constant 2 : i32
      %mul3A_373 = arith.muli %scan3A_319, %mul3A_372 : i32
      %add3A_374 = arith.constant 0 : i32
      %add3A_375 = arith.addi %mul3A_373, %add3A_374 : i32
      %dma_wait3A_376 = arith.constant 0 : i32
      %dma_wait3A_377 = arith.constant 0 : i32
      %dma_wait3A_378 = arith.constant 0 : i32
      %dma_wait3A_379 = tpu.memref_slice %arg11[%dma_wait3A_376, %dma_wait3A_377, %dma_wait3A_378] : memref<2x128x64xf32, #tpu.memory_space<vmem>> -> memref<1x128x64xf32, #tpu.memory_space<vmem>>
      %dma_wait3A_380 = tpu.memref_squeeze %dma_wait3A_379 : memref<1x128x64xf32, #tpu.memory_space<vmem>> -> memref<128x64xf32, #tpu.memory_space<vmem>>
      %dma_wait3A_381 = arith.constant 0 : i32
      %dma_wait3A_382 = tpu.memref_slice %arg9[%add3A_375, %dma_wait3A_381] : memref<40x128xi32, #tpu.memory_space<vmem>> -> memref<1x128xi32, #tpu.memory_space<vmem>>
      %dma_wait3A_383 = tpu.memref_squeeze %dma_wait3A_382 : memref<1x128xi32, #tpu.memory_space<vmem>> -> memref<128xi32, #tpu.memory_space<vmem>>
      %dma_wait3A_384 = arith.constant 0 : i32
      %dma_wait3A_385 = arith.constant 0 : i32
      %dma_wait3A_386 = tpu.memref_slice %arg12[%dma_wait3A_384, %dma_wait3A_385] : memref<10112x64xf32, #tpu.memory_space<vmem_shared>> -> memref<10112x64xf32, #tpu.memory_space<vmem_shared>>
      tpu.wait_indirect_dma semaphore(%arg16 : memref<!tpu.dma_semaphore, #tpu.memory_space<semaphore_mem>>) src(%dma_wait3A_380 : memref<128x64xf32, #tpu.memory_space<vmem>>) dst(%dma_wait3A_386 : memref<10112x64xf32, #tpu.memory_space<vmem_shared>>)
      %add3A_387 = arith.constant 2 : i32
      %add3A_388 = arith.addi %add3A_375, %add3A_387 : i32
      %lt3A = arith.constant 40 : i32
      %lt3A_389 = arith.cmpi slt, %add3A_388, %lt3A : i32
      %convert_element_type3A_390 = arith.extui %lt3A_389 : i1 to i32
      %cond3A_391 = arith.constant 0 : i32
      %cond3A_392 = arith.cmpi ne, %convert_element_type3A_390, %cond3A_391 : i32
      scf.if %cond3A_392 {
        %add3A_415 = arith.constant 2 : i32
        %add3A_416 = arith.addi %add3A_375, %add3A_415 : i32
        %dma_start3A_417 = arith.constant 0 : i32
        %dma_start3A_418 = arith.constant 0 : i32
        %dma_start3A_419 = arith.constant 0 : i32
        %dma_start3A_420 = tpu.memref_slice %arg11[%dma_start3A_417, %dma_start3A_418, %dma_start3A_419] : memref<2x128x64xf32, #tpu.memory_space<vmem>> -> memref<1x128x64xf32, #tpu.memory_space<vmem>>
        %dma_start3A_421 = tpu.memref_squeeze %dma_start3A_420 : memref<1x128x64xf32, #tpu.memory_space<vmem>> -> memref<128x64xf32, #tpu.memory_space<vmem>>
        %dma_start3A_422 = arith.constant 0 : i32
        %dma_start3A_423 = tpu.memref_slice %arg8[%add3A_416, %dma_start3A_422] : memref<40x128xi32, #tpu.memory_space<vmem>> -> memref<1x128xi32, #tpu.memory_space<vmem>>
        %dma_start3A_424 = tpu.memref_squeeze %dma_start3A_423 : memref<1x128xi32, #tpu.memory_space<vmem>> -> memref<128xi32, #tpu.memory_space<vmem>>
        %dma_start3A_425 = arith.constant 0 : i32
        %dma_start3A_426 = arith.constant 0 : i32
        %dma_start3A_427 = tpu.memref_slice %arg13[%dma_start3A_425, %dma_start3A_426] : memref<10112x64xf32, #tpu.memory_space<vmem_shared>> -> memref<10112x64xf32, #tpu.memory_space<vmem_shared>>
        tpu.enqueue_indirect_dma source(%dma_start3A_427 : memref<10112x64xf32, #tpu.memory_space<vmem_shared>>) target(%dma_start3A_421 : memref<128x64xf32, #tpu.memory_space<vmem>>) offsets(%dma_start3A_424 : memref<128xi32, #tpu.memory_space<vmem>>) semaphore(%arg14 : memref<!tpu.dma_semaphore, #tpu.memory_space<semaphore_mem>>)
      } else {
      }
      %mul3A_393 = arith.constant 2 : i32
      %mul3A_394 = arith.muli %scan3A_319, %mul3A_393 : i32
      %add3A_395 = arith.constant 1 : i32
      %add3A_396 = arith.addi %mul3A_394, %add3A_395 : i32
      %dma_wait3A_397 = arith.constant 1 : i32
      %dma_wait3A_398 = arith.constant 0 : i32
      %dma_wait3A_399 = arith.constant 0 : i32
      %dma_wait3A_400 = tpu.memref_slice %arg11[%dma_wait3A_397, %dma_wait3A_398, %dma_wait3A_399] : memref<2x128x64xf32, #tpu.memory_space<vmem>> -> memref<1x128x64xf32, #tpu.memory_space<vmem>>
      %dma_wait3A_401 = tpu.memref_squeeze %dma_wait3A_400 : memref<1x128x64xf32, #tpu.memory_space<vmem>> -> memref<128x64xf32, #tpu.memory_space<vmem>>
      %dma_wait3A_402 = arith.constant 0 : i32
      %dma_wait3A_403 = tpu.memref_slice %arg9[%add3A_396, %dma_wait3A_402] : memref<40x128xi32, #tpu.memory_space<vmem>> -> memref<1x128xi32, #tpu.memory_space<vmem>>
      %dma_wait3A_404 = tpu.memref_squeeze %dma_wait3A_403 : memref<1x128xi32, #tpu.memory_space<vmem>> -> memref<128xi32, #tpu.memory_space<vmem>>
      %dma_wait3A_405 = arith.constant 0 : i32
      %dma_wait3A_406 = arith.constant 0 : i32
      %dma_wait3A_407 = tpu.memref_slice %arg12[%dma_wait3A_405, %dma_wait3A_406] : memref<10112x64xf32, #tpu.memory_space<vmem_shared>> -> memref<10112x64xf32, #tpu.memory_space<vmem_shared>>
      tpu.wait_indirect_dma semaphore(%arg17 : memref<!tpu.dma_semaphore, #tpu.memory_space<semaphore_mem>>) src(%dma_wait3A_401 : memref<128x64xf32, #tpu.memory_space<vmem>>) dst(%dma_wait3A_407 : memref<10112x64xf32, #tpu.memory_space<vmem_shared>>)
      %add3A_408 = arith.constant 2 : i32
      %add3A_409 = arith.addi %add3A_396, %add3A_408 : i32
      %lt3A_410 = arith.constant 40 : i32
      %lt3A_411 = arith.cmpi slt, %add3A_409, %lt3A_410 : i32
      %convert_element_type3A_412 = arith.extui %lt3A_411 : i1 to i32
      %cond3A_413 = arith.constant 0 : i32
      %cond3A_414 = arith.cmpi ne, %convert_element_type3A_412, %cond3A_413 : i32
      scf.if %cond3A_414 {
        %add3A_415 = arith.constant 2 : i32
        %add3A_416 = arith.addi %add3A_396, %add3A_415 : i32
        %dma_start3A_417 = arith.constant 1 : i32
        %dma_start3A_418 = arith.constant 0 : i32
        %dma_start3A_419 = arith.constant 0 : i32
        %dma_start3A_420 = tpu.memref_slice %arg11[%dma_start3A_417, %dma_start3A_418, %dma_start3A_419] : memref<2x128x64xf32, #tpu.memory_space<vmem>> -> memref<1x128x64xf32, #tpu.memory_space<vmem>>
        %dma_start3A_421 = tpu.memref_squeeze %dma_start3A_420 : memref<1x128x64xf32, #tpu.memory_space<vmem>> -> memref<128x64xf32, #tpu.memory_space<vmem>>
        %dma_start3A_422 = arith.constant 0 : i32
        %dma_start3A_423 = tpu.memref_slice %arg8[%add3A_416, %dma_start3A_422] : memref<40x128xi32, #tpu.memory_space<vmem>> -> memref<1x128xi32, #tpu.memory_space<vmem>>
        %dma_start3A_424 = tpu.memref_squeeze %dma_start3A_423 : memref<1x128xi32, #tpu.memory_space<vmem>> -> memref<128xi32, #tpu.memory_space<vmem>>
        %dma_start3A_425 = arith.constant 0 : i32
        %dma_start3A_426 = arith.constant 0 : i32
        %dma_start3A_427 = tpu.memref_slice %arg13[%dma_start3A_425, %dma_start3A_426] : memref<10112x64xf32, #tpu.memory_space<vmem_shared>> -> memref<10112x64xf32, #tpu.memory_space<vmem_shared>>
        tpu.enqueue_indirect_dma source(%dma_start3A_427 : memref<10112x64xf32, #tpu.memory_space<vmem_shared>>) target(%dma_start3A_421 : memref<128x64xf32, #tpu.memory_space<vmem>>) offsets(%dma_start3A_424 : memref<128xi32, #tpu.memory_space<vmem>>) semaphore(%arg15 : memref<!tpu.dma_semaphore, #tpu.memory_space<semaphore_mem>>)
      } else {
      }
    }
    %scan3A_312 = arith.constant 20 : i32
    %eq3A_313 = arith.constant 0 : i32
    %eq3A_314 = arith.cmpi eq, %arg0, %eq3A_313 : i32
    %convert_element_type3A_315 = arith.extui %eq3A_314 : i1 to i32
    %cond3A_316 = arith.constant 0 : i32
    %cond3A_317 = arith.cmpi ne, %convert_element_type3A_315, %cond3A_316 : i32
    scf.if %cond3A_317 {
      %dma_wait3A_319 = arith.constant 0 : i32
      %dma_wait3A_320 = tpu.memref_slice %arg7[%mul3A_2, %dma_wait3A_319] : memref<10112x64xf32, #tpu.memory_space<hbm>> -> memref<632x64xf32, #tpu.memory_space<hbm>>
      %dma_wait3A_321 = arith.constant 0 : i32
      %dma_wait3A_322 = tpu.memref_slice %arg13[%mul3A_2, %dma_wait3A_321] : memref<10112x64xf32, #tpu.memory_space<vmem_shared>> -> memref<632x64xf32, #tpu.memory_space<vmem_shared>>
      tpu.wait_dma2 semaphore(%arg18 : memref<!tpu.dma_semaphore, #tpu.memory_space<semaphore_mem>>) src(%dma_wait3A_322 : memref<632x64xf32, #tpu.memory_space<vmem_shared>>) dst(%dma_wait3A_320 : memref<632x64xf32, #tpu.memory_space<hbm>>)
    } else {
    }
    %barrier3A_318 = arith.constant 0 : index
    tpu.barrier barrier_id(%barrier3A_318)
    "tpu.region"() ({
      %run_scoped3A_319 = tpu.sem_alloc : memref<!tpu.dma_semaphore, #tpu.memory_space<semaphore_mem>>
      %dma_start3A_320 = arith.constant 0 : i32
      %dma_start3A_321 = tpu.memref_slice %arg6[%arg0, %mul3A_2, %dma_start3A_320] : memref<2x10112x64xf32, #tpu.memory_space<hbm>> -> memref<1x632x64xf32, #tpu.memory_space<hbm>>
      %dma_start3A_322 = tpu.memref_squeeze %dma_start3A_321 : memref<1x632x64xf32, #tpu.memory_space<hbm>> -> memref<632x64xf32, #tpu.memory_space<hbm>>
      %dma_start3A_323 = arith.constant 0 : i32
      %dma_start3A_324 = tpu.memref_slice %arg12[%mul3A_2, %dma_start3A_323] : memref<10112x64xf32, #tpu.memory_space<vmem_shared>> -> memref<632x64xf32, #tpu.memory_space<vmem_shared>>
      tpu.enqueue_dma source(%dma_start3A_324 : memref<632x64xf32, #tpu.memory_space<vmem_shared>>) target(%dma_start3A_322 : memref<632x64xf32, #tpu.memory_space<hbm>>) target_semaphore(%run_scoped3A_319 : memref<!tpu.dma_semaphore, #tpu.memory_space<semaphore_mem>>)
      %dma_wait3A_325 = arith.constant 0 : i32
      %dma_wait3A_326 = tpu.memref_slice %arg6[%arg0, %mul3A_2, %dma_wait3A_325] : memref<2x10112x64xf32, #tpu.memory_space<hbm>> -> memref<1x632x64xf32, #tpu.memory_space<hbm>>
      %dma_wait3A_327 = tpu.memref_squeeze %dma_wait3A_326 : memref<1x632x64xf32, #tpu.memory_space<hbm>> -> memref<632x64xf32, #tpu.memory_space<hbm>>
      %dma_wait3A_328 = arith.constant 0 : i32
      %dma_wait3A_329 = tpu.memref_slice %arg12[%mul3A_2, %dma_wait3A_328] : memref<10112x64xf32, #tpu.memory_space<vmem_shared>> -> memref<632x64xf32, #tpu.memory_space<vmem_shared>>
      tpu.wait_dma2 semaphore(%run_scoped3A_319 : memref<!tpu.dma_semaphore, #tpu.memory_space<semaphore_mem>>) src(%dma_wait3A_329 : memref<632x64xf32, #tpu.memory_space<vmem_shared>>) dst(%dma_wait3A_327 : memref<632x64xf32, #tpu.memory_space<hbm>>)
      tpu.yield
    }) : () -> ()
    return
  }
}

module attributes {stable_mosaic.version = 14 : i64} {
  func.func @_dense_body(%arg0: i32, %arg1: memref<1000x256xf32, #tpu.memory_space<vmem>>, %arg2: memref<256x256xf32, #tpu.memory_space<vmem>>, %arg3: memref<1x256xf32, #tpu.memory_space<vmem>>, %arg4: memref<256x64xf32, #tpu.memory_space<vmem>>, %arg5: memref<1000x64xf32, #tpu.memory_space<vmem>>) attributes {dimension_semantics = [#tpu.dimension_semantics<arbitrary>], iteration_bounds = array<i64: 10>, scalar_prefetch = 0 : i64, scratch_operands = 0 : i64, tpu.core_type = #tpu.core_type<tc>, window_params = [{transform_indices = @transform_0, window_bounds = array<i64: 1000, 256>}, {pipeline_mode = #tpu.pipeline_mode<synchronous>, transform_indices = @transform_1, window_bounds = array<i64: 256, 256>}, {pipeline_mode = #tpu.pipeline_mode<synchronous>, transform_indices = @transform_2, window_bounds = array<i64: 1, 256>}, {pipeline_mode = #tpu.pipeline_mode<synchronous>, transform_indices = @transform_3, window_bounds = array<i64: 256, 64>}, {transform_indices = @transform_4, window_bounds = array<i64: 1000, 64>}]} {
    %get3A = arith.constant 0 : index
    %get3A_0 = arith.constant 0 : index
    %get3A_1 = vector.load %arg1[%get3A, %get3A_0] : memref<1000x256xf32, #tpu.memory_space<vmem>>, vector<1000x256xf32>
    %get3A_2 = arith.constant 0 : index
    %get3A_3 = arith.constant 0 : index
    %get3A_4 = vector.load %arg2[%get3A_2, %get3A_3] : memref<256x256xf32, #tpu.memory_space<vmem>>, vector<256x256xf32>
    %dot_general3A = arith.constant dense<0.000000e+00> : vector<1000x256xf32>
    %dot_general3A_5 = tpu.matmul %get3A_1, %get3A_4, %dot_general3A {dimension_numbers = #tpu.dot_dimension_numbers<[1], [0], [0], [1], [0, 0, 1, 1], [], []>, transpose_lhs_hint = false} : vector<1000x256xf32>, vector<256x256xf32>, vector<1000x256xf32> -> vector<1000x256xf32>
    %get3A_6 = arith.constant 0 : index
    %get3A_7 = arith.constant 0 : index
    %get3A_8 = vector.load %arg3[%get3A_6, %get3A_7] : memref<1x256xf32, #tpu.memory_space<vmem>>, vector<1x256xf32>
    %add3A = vector.broadcast %get3A_8 : vector<1x256xf32> to vector<1000x256xf32>
    %add3A_9 = arith.addf %dot_general3A_5, %add3A : vector<1000x256xf32>
    %max3A = arith.constant 0.000000e+00 : f32
    %max3A_10 = vector.broadcast %max3A : f32 to vector<1000x256xf32>
    %max3A_11 = arith.maximumf %add3A_9, %max3A_10 : vector<1000x256xf32>
    %get3A_12 = arith.constant 0 : index
    %get3A_13 = arith.constant 0 : index
    %get3A_14 = vector.load %arg4[%get3A_12, %get3A_13] : memref<256x64xf32, #tpu.memory_space<vmem>>, vector<256x64xf32>
    %dot_general3A_15 = arith.constant dense<0.000000e+00> : vector<1000x64xf32>
    %dot_general3A_16 = tpu.matmul %max3A_11, %get3A_14, %dot_general3A_15 {dimension_numbers = #tpu.dot_dimension_numbers<[1], [0], [0], [1], [0, 0, 1, 1], [], []>, transpose_lhs_hint = false} : vector<1000x256xf32>, vector<256x64xf32>, vector<1000x64xf32> -> vector<1000x64xf32>
    %swap3A = arith.constant 0 : index
    %swap3A_17 = arith.constant 0 : index
    %swap3A_18 = vector.load %arg5[%swap3A, %swap3A_17] : memref<1000x64xf32, #tpu.memory_space<vmem>>, vector<1000x64xf32>
    tpu.vector_store %arg5[%swap3A, %swap3A_17], %dot_general3A_16 {strides = array<i32>} : memref<1000x64xf32, #tpu.memory_space<vmem>>, vector<1000x64xf32>,
    return
  }
  func.func @transform_0(%arg0: i32) -> (i32, i32) {
    %c0_i32 = arith.constant 0 : i32
    %c0_i32_0 = arith.constant 0 : i32
    return %arg0, %c0_i32 : i32, i32
  }
  func.func @transform_1(%arg0: i32) -> (i32, i32) {
    %c0_i32 = arith.constant 0 : i32
    %c0_i32_0 = arith.constant 0 : i32
    %c0_i32_1 = arith.constant 0 : i32
    return %c0_i32, %c0_i32_0 : i32, i32
  }
  func.func @transform_2(%arg0: i32) -> (i32, i32) {
    %c0_i32 = arith.constant 0 : i32
    %c0_i32_0 = arith.constant 0 : i32
    %c0_i32_1 = arith.constant 0 : i32
    return %c0_i32, %c0_i32_0 : i32, i32
  }
  func.func @transform_3(%arg0: i32) -> (i32, i32) {
    %c0_i32 = arith.constant 0 : i32
    %c0_i32_0 = arith.constant 0 : i32
    %c0_i32_1 = arith.constant 0 : i32
    return %c0_i32, %c0_i32_0 : i32, i32
  }
  func.func @transform_4(%arg0: i32) -> (i32, i32) {
    %c0_i32 = arith.constant 0 : i32
    %c0_i32_0 = arith.constant 0 : i32
    return %arg0, %c0_i32 : i32, i32
  }
}

module attributes {stable_mosaic.version = 14 : i64} {
  func.func @_final_body(%arg0: i32, %arg1: memref<1000x64xf32, #tpu.memory_space<vmem>>, %arg2: memref<1000x64xf32, #tpu.memory_space<vmem>>, %arg3: memref<2x1000x64xf32, #tpu.memory_space<vmem>>, %arg4: memref<1x64xf32, #tpu.memory_space<vmem>>, %arg5: memref<1000x64xf32, #tpu.memory_space<vmem>>) attributes {dimension_semantics = [#tpu.dimension_semantics<arbitrary>], iteration_bounds = array<i64: 10>, scalar_prefetch = 0 : i64, scratch_operands = 0 : i64, tpu.core_type = #tpu.core_type<tc>, window_params = [{transform_indices = @transform_0, window_bounds = array<i64: 1000, 64>}, {transform_indices = @transform_1, window_bounds = array<i64: 1000, 64>}, {transform_indices = @transform_2, window_bounds = array<i64: 2, 1000, 64>}, {pipeline_mode = #tpu.pipeline_mode<synchronous>, transform_indices = @transform_3, window_bounds = array<i64: 1, 64>}, {transform_indices = @transform_4, window_bounds = array<i64: 1000, 64>}]} {
    %get3A = arith.constant 0 : index
    %get3A_0 = arith.constant 0 : index
    %get3A_1 = vector.load %arg1[%get3A, %get3A_0] : memref<1000x64xf32, #tpu.memory_space<vmem>>, vector<1000x64xf32>
    %mul3A = arith.constant 9.99999974E-5 : f32
    %mul3A_2 = vector.broadcast %mul3A : f32 to vector<1000x64xf32>
    %mul3A_3 = arith.mulf %mul3A_2, %get3A_1 : vector<1000x64xf32>
    %get3A_4 = arith.constant 0 : index
    %get3A_5 = arith.constant 0 : index
    %get3A_6 = vector.load %arg2[%get3A_4, %get3A_5] : memref<1000x64xf32, #tpu.memory_space<vmem>>, vector<1000x64xf32>
    %mul3A_7 = arith.constant 2.000000e-02 : f32
    %mul3A_8 = vector.broadcast %mul3A_7 : f32 to vector<1000x64xf32>
    %mul3A_9 = arith.mulf %mul3A_8, %get3A_6 : vector<1000x64xf32>
    %add3A = arith.addf %mul3A_3, %mul3A_9 : vector<1000x64xf32>
    %get3A_10 = arith.constant 0 : index
    %get3A_11 = arith.constant 0 : index
    %get3A_12 = arith.constant 0 : index
    %get3A_13 = vector.load %arg3[%get3A_10, %get3A_11, %get3A_12] : memref<2x1000x64xf32, #tpu.memory_space<vmem>>, vector<1x1000x64xf32>
    %get3A_14 = vector.shape_cast %get3A_13 : vector<1x1000x64xf32> to vector<1000x64xf32>
    %add3A_15 = arith.addf %add3A, %get3A_14 : vector<1000x64xf32>
    %get3A_16 = arith.constant 1 : index
    %get3A_17 = arith.constant 0 : index
    %get3A_18 = arith.constant 0 : index
    %get3A_19 = vector.load %arg3[%get3A_16, %get3A_17, %get3A_18] : memref<2x1000x64xf32, #tpu.memory_space<vmem>>, vector<1x1000x64xf32>
    %get3A_20 = vector.shape_cast %get3A_19 : vector<1x1000x64xf32> to vector<1000x64xf32>
    %add3A_21 = arith.addf %add3A_15, %get3A_20 : vector<1000x64xf32>
    %get3A_22 = arith.constant 0 : index
    %get3A_23 = arith.constant 0 : index
    %get3A_24 = vector.load %arg4[%get3A_22, %get3A_23] : memref<1x64xf32, #tpu.memory_space<vmem>>, vector<1x64xf32>
    %get3A_25 = vector.shape_cast %get3A_24 : vector<1x64xf32> to vector<64xf32>
    %broadcast_in_dim3A = vector.shape_cast %get3A_25 : vector<64xf32> to vector<1x64xf32>
    %add3A_26 = vector.broadcast %broadcast_in_dim3A : vector<1x64xf32> to vector<1000x64xf32>
    %add3A_27 = arith.addf %add3A_21, %add3A_26 : vector<1000x64xf32>
    %swap3A = arith.constant 0 : index
    %swap3A_28 = arith.constant 0 : index
    %swap3A_29 = vector.load %arg5[%swap3A, %swap3A_28] : memref<1000x64xf32, #tpu.memory_space<vmem>>, vector<1000x64xf32>
    tpu.vector_store %arg5[%swap3A, %swap3A_28], %add3A_27 {strides = array<i32>} : memref<1000x64xf32, #tpu.memory_space<vmem>>, vector<1000x64xf32>,
    return
  }
  func.func @transform_0(%arg0: i32) -> (i32, i32) {
    %c0_i32 = arith.constant 0 : i32
    %c0_i32_0 = arith.constant 0 : i32
    return %arg0, %c0_i32 : i32, i32
  }
  func.func @transform_1(%arg0: i32) -> (i32, i32) {
    %c0_i32 = arith.constant 0 : i32
    %c0_i32_0 = arith.constant 0 : i32
    return %arg0, %c0_i32 : i32, i32
  }
  func.func @transform_2(%arg0: i32) -> (i32, i32, i32) {
    %c0_i32 = arith.constant 0 : i32
    %c0_i32_0 = arith.constant 0 : i32
    %c0_i32_1 = arith.constant 0 : i32
    return %c0_i32, %arg0, %c0_i32_0 : i32, i32, i32
  }
  func.func @transform_3(%arg0: i32) -> (i32, i32) {
    %c0_i32 = arith.constant 0 : i32
    %c0_i32_0 = arith.constant 0 : i32
    %c0_i32_1 = arith.constant 0 : i32
    return %c0_i32, %c0_i32_0 : i32, i32
  }
  func.func @transform_4(%arg0: i32) -> (i32, i32) {
    %c0_i32 = arith.constant 0 : i32
    %c0_i32_0 = arith.constant 0 : i32
    return %arg0, %c0_i32 : i32, i32
  }
}

</mosaic_0001>

<sc_bundles>
// kernel: kernel.10.cloned.1.call-start
scs
__scs_entry_jumppad:
0x0: {  	(pc) =	sbr.rel $0x88, $3  }
0x1: {  	(tag) =	ssettag $0x0;
	lr =	simm.s32 $0x1  }
0x2: {  	[smem:$0x3F97] =	sst lr;
	_ =	strace $0xD0000000  }
0x3: {  	_ = 	snop  }
0x4: {  	_ = 	snop  }
0x5: {  	_ = 	snop  }
0x6: {  	_ = 	snop  }
0x7: {  	_ = 	snop  }
__scs_overlays_trampoline_lowered:
0x8: {  	[smem:$0x3FA6] =	sst s0  }
0x9: {  	[smem:$0x3FA7] =	sst s1  }
0xa: {  	[smem:$0x3FA8] =	sst s2  }
0xb: {  	[smem:$0x3FA9] =	sst s3  }
0xc: {  	[smem:$0x3FAA] =	sst s4  }
0xd: {  	[smem:$0x3FAB] =	sst s5  }
0xe: {  	[smem:$0x3FAC] =	sst s6  }
0xf: {  	[smem:$0x3FAD] =	sst s7  }
0x10: {  	[smem:$0x3FAE] =	sst s8  }
0x11: {  	[smem:$0x3FAF] =	sst s9;
	s0 =	simm.s32 @!p0 $0x0  }
0x12: {  	s1 =	sld [smem:$0x3F95];
	s0 =	simm.s32 @p0 $0x1  }
0x13: {  	[smem:$0x3FB0] =	sst s0;
	s0 =	simm.s32 @!p1 $0x0  }
0x14: {  	s2 =	sld [smem:$0x3F94];
	s0 =	simm.s32 @p1 $0x1  }
0x15: {  	[smem:$0x3FB1] =	sst s0;
	s0 =	simm.s32 @!p2 $0x0  }
0x16: {  	s3 =	sld [smem:$0x3FDB];
	s0 =	simm.s32 @p2 $0x1  }
0x17: {  	s4 =	simm.s32 $0x1BF5;
	[smem:$0x3FB3] =	sst s0  }
0x18: {  	s0 =	sld [smem:$0x3F96];
	_ =	swait.ge [sflag:s4], $0x0  }
0x19: {  	s7 =	sld [smem:$0x3F97]  }
0x1a: {  	s8 =	sadd.s32 $0xFFFFE003, lr  }
0x1b: {  	s9 =	sadd.s32 $0xFFFFFEF7, lr;
	s5 =	simm.s32 $0xFFFFFFFF;
	p2 =	slt.u32 s8, $0xFFFFF086  }
0x1c: {  	p1 =	slt.u32 s9, $0xF7A;
	s5 =	simm.s32 @!p2 $0x0  }
0x1d: {  	s5 =	simm.s32 @p1 $0x1;
	p0 =	seq.s32 s7, s2  }
0x1e: {  	s7 =	smul.u32 @!p0 $0xF7A, s2;
	p2 =	seq.s32 @!p0 s5, $0x0  }
0x1f: {  	s9 =	smul.u32 $0xF7A, s1;
	s8 =	simm.s32 @!p0 $0x1BF5;
	p2 =	por !p2, p0  }
0x20: {  	[sflag:s8] =	ssyncset.s32 @!p0 $0xFFFFF086;
	s6 =	sadd.s32 @!p0 s3, s7;
	s7 =	simm.s32 @!p0 $0x108  }
0x21: {  	s3 =	sadd.s32 s3, s9;
	s6 =	sadd.s32 @!p0 $0x88, s6;
	s7 =	simm.s32 @p2 $0x1082  }
0x22: {  	[simem:s7], [sflag:s8] =	dma.local @!p0 [hbm:s6], $0xF7A  }
0x23: {  	s9 =	sor.u32 $0xD0000000, s2;
	s6 =	simm.s32 $0x108;
	_ =	swait.ge @!p0 [sflag:s8], $0x0  }
0x24: {  	s3 =	sadd.s32 $0x88, s3;
	s6 =	simm.s32 @!p1 $0x1082;
	[sflag:s4] =	ssyncset.s32 $0xFFFFF086  }
0x25: {  	[simem:s6], [sflag:s4] =	dma.local [hbm:s3], $0xF7A  }
0x26: {  	[smem:$0x3F97] =	sst s1;
	(tag) =	ssettag s2;
	_ =	strace s9  }
0x27: {  	s1 =	sld [smem:$0x3FA7]  }
0x28: {  	s2 =	sld [smem:$0x3FA8]  }
0x29: {  	s4 =	sld [smem:$0x3FAA]  }
0x2a: {  	p0 =	seq.s32 s5, $0x0;
	s5 =	sld [smem:$0x3FAB]  }
0x2b: {  	s6 =	sld [smem:$0x3FAC]  }
0x2c: {  	s7 =	sld [smem:$0x3FAD]  }
0x2d: {  	s3 =	simm.s32 $0x108;
	s8 =	sld [smem:$0x3FAE]  }
0x2e: {  	s3 =	simm.s32 @!p0 $0x1082;
	s9 =	sld [smem:$0x3FAF]  }
0x2f: {  	lr =	sadd.s32 s0, s3;
	s0 =	sld [smem:$0x3FA6]  }
0x30: {  	s3 =	sld [smem:$0x3FA9]  }
0x31: {  	[smem:$0x3FB2] =	sst s10  }
0x32: {  	s10 =	sld [smem:$0x3FB0];
	_ =	sdelay $0x3  }
0x33: {  	p0 =	seq.s32 s10, $0x1;
	s10 =	sld [smem:$0x3FB2];
	_ =	sdelay $0x3  }
0x34: {  	[smem:$0x3FB2] =	sst s10  }
0x35: {  	s10 =	sld [smem:$0x3FB1];
	_ =	sdelay $0x3  }
0x36: {  	p1 =	seq.s32 s10, $0x1;
	s10 =	sld [smem:$0x3FB2];
	_ =	sdelay $0x3  }
0x37: {  	[smem:$0x3FB2] =	sst s10  }
0x38: {  	s10 =	sld [smem:$0x3FB3]  }
0x39: {  	_ = 	snop;
	(pc) =	sbr.ind lr, $3  }
0x3a: {  	_ = 	snop  }
0x3b: {  	_ = 	snop  }
0x3c: {  	p2 =	seq.s32 s10, $0x1;
	s10 =	sld [smem:$0x3FB2]  }
0x3d: {  	_ =	shalt  }
0x3e: {  	_ =	shalt  }
0x3f: {  	_ =	shalt  }
0x40: {  	_ =	shalt  }
0x41: {  	_ =	shalt  }
0x42: {  	_ =	shalt  }
0x43: {  	_ =	shalt  }
0x44: {  	_ =	shalt  }
0x45: {  	_ =	shalt  }
0x46: {  	_ =	shalt  }
0x47: {  	_ =	shalt  }
0x48: {  	_ =	shalt  }
0x49: {  	_ =	shalt  }
0x4a: {  	_ =	shalt  }
0x4b: {  	_ =	shalt  }
0x4c: {  	_ =	shalt  }
0x4d: {  	_ =	shalt  }
0x4e: {  	_ =	shalt  }
0x4f: {  	_ =	shalt  }
0x50: {  	_ =	shalt  }
0x51: {  	_ =	shalt  }
0x52: {  	_ =	shalt  }
0x53: {  	_ =	shalt  }
0x54: {  	_ =	shalt  }
0x55: {  	_ =	shalt  }
0x56: {  	_ =	shalt  }
0x57: {  	_ =	shalt  }
0x58: {  	_ =	shalt  }
0x59: {  	_ =	shalt  }
0x5a: {  	_ =	shalt  }
0x5b: {  	_ =	shalt  }
0x5c: {  	_ =	shalt  }
0x5d: {  	_ =	shalt  }
0x5e: {  	_ =	shalt  }
0x5f: {  	_ =	shalt  }
0x60: {  	_ =	shalt  }
0x61: {  	_ =	shalt  }
0x62: {  	_ =	shalt  }
0x63: {  	_ =	shalt  }
0x64: {  	_ =	shalt  }
0x65: {  	_ =	shalt  }
0x66: {  	_ =	shalt  }
0x67: {  	_ =	shalt  }
0x68: {  	_ =	shalt  }
0x69: {  	_ =	shalt  }
0x6a: {  	_ =	shalt  }
0x6b: {  	_ =	shalt  }
0x6c: {  	_ =	shalt  }
0x6d: {  	_ =	shalt  }
0x6e: {  	_ =	shalt  }
0x6f: {  	_ =	shalt  }
0x70: {  	_ =	shalt  }
0x71: {  	_ =	shalt  }
0x72: {  	_ =	shalt  }
0x73: {  	_ =	shalt  }
0x74: {  	_ =	shalt  }
0x75: {  	_ =	shalt  }
0x76: {  	_ =	shalt  }
0x77: {  	_ =	shalt  }
0x78: {  	_ =	shalt  }
0x79: {  	_ =	shalt  }
0x7a: {  	_ =	shalt  }
0x7b: {  	_ =	shalt  }
0x7c: {  	_ =	shalt  }
0x7d: {  	_ =	shalt  }
0x7e: {  	_ =	shalt  }
0x7f: {  	_ =	shalt  }
0x80: {  	_ =	shalt  }
0x81: {  	_ =	shalt  }
0x82: {  	_ =	shalt  }
0x83: {  	_ =	shalt  }
0x84: {  	_ =	shalt  }
0x85: {  	_ =	shalt  }
0x86: {  	_ =	shalt  }
0x87: {  	_ =	shalt  }
.Lfunc_end0:
.L_simem_size_0:
called_computation.1_lowered:
.L_overlay_start_0:
0x88: {  	s2 =	sld [smem:$0x3FD9]  }
0x89: {  	s3 =	sld [smem:$0x3FFE];
	_ =	sdelay $0x1  }
0x8a: {  	s1 =	srdreg.scid  }
0x8b: {  	s0 =	sand.u32 $0x1, s1  }
0x8c: {  	s17 =	sshll.u32 s0, $0xA;
	s2 =	sadd.s32 s3, s2  }
0x8d: {  	s2 =	sadd.s32 s2, s17  }
0x8e: {  	[smem:$0x3FBE] =	sst s2  }
0x8f: {  	_ = 	snop  }
0x90: {  	s2 =	sld [smem:$0x3FD0];
	(tm) =	ssettm $0x1  }
0x91: {  	s18 =	sld [smem:$0x3FFB];
	_ =	sdelay $0x3  }
0x92: {  	_ =	strace s18  }
0x93: {  	s3 =	sld [smem:$0x3FFC];
	_ =	sdelay $0x3  }
0x94: {  	_ =	strace s3  }
0x95: {  	s3 =	sld [smem:$0x3FFD];
	_ =	sdelay $0x3  }
0x96: {  	_ =	strace s3  }
0x97: {  	_ =	strace $0x8FFFFFFF  }
0x98: {  	s19 =	sld [smem:$0x3FDB];
	_ =	sdelay $0x1  }
0x99: {  	s4 =	simm.s32 $_scs_section_size  }
0x9a: {  	s5 =	simm.s32 $_size__tile_overlayer_lowered;
	s6 =	simm.s32 $_tile_overlayer_lowered  }
0x9b: {  	s22 =	simm.s32 $0x1BFF;
	s21 =	sshll.u32 s6, $0x1;
	s3 =	sadd.s32 s4, s19  }
0x9c: {  	s7 =	simm.s32 $0x0;
	s20 =	sshll.u32 s5, $0x1;
	s5 =	sadd.s32 s21, s3  }
0x9d: {  	[timem:s7], [sflag:s22] =	dma.local [hbm:s5], s20  }
0x9e: {  	_ =	swait.ge [sflag:s22], s20  }
0x9f: {  	s4 =	ssub.s32 $0x0, s20;
	[sflag:s22] =	ssyncset.done $0x0  }
0xa0: {  	[sflag:s22] =	ssyncadd.s32 s4;
	_ =	sdelay $0x1  }
0xa1: {  	s23 =	simm.s32 $0x1B8B  }
0xa2: {  	_ =	swait.ge [sflag:s23], $0x1  }
0xa3: {  	[sflag:s23] =	ssyncset.done $0x0  }
0xa4: {  	s25 =	simm.s32 $0x1B8E;
	s24 =	sld [smem:$0x3FFE];
	[sflag:s23] =	ssyncadd.s32 $0xFFFFFFFF  }
0xa5: {  	s26 =	simm.s32 $execute0_lowered;
	[smem:$0x3FD2] =	sst s25  }
0xa6: {  	s5 =	sshll.u32 s26, $0x1;
	_ =	strace $0x80000049;
	[dreg:$0x1] =	wrdreg $0xFFFFFFFF  }
0xa7: {  	s28 =	simm.s32 $_size_execute0_lowered;
	s3 =	sadd.s32 s3, s5;
	[dreg:$0x0] =	wrdreg $0x0  }
0xa8: {  	s5 =	sshll.u32 s28, $0x1;
	[dreg:$0x2] =	wrdreg s3  }
0xa9: {  	[dreg:$0x3] =	wrdreg s5  }
0xaa: {  	[dreg:$0x4] =	wrdreg $0xC0  }
0xab: {  	_ =	task [dreg:s7], $0x5FFFF  }
0xac: {  	[dreg:$0x1] =	wrdreg $0xFFFFFFFF  }
0xad: {  	[dreg:$0x0] =	wrdreg $0x60  }
0xae: {  	[dreg:$0x2] =	wrdreg s24  }
0xaf: {  	[dreg:$0x3] =	wrdreg s2  }
0xb0: {  	[dreg:$0x4] =	wrdreg $0x6A800  }
0xb1: {  	[dreg:$0x5] =	wrdreg $0x108800  }
0xb2: {  	[dreg:$0x6] =	wrdreg $0x9  }
0xb3: {  	_ =	task.clear_ibuf [dreg:s7], $0x7FFFF;
	_ =	strace $0x90000049  }
0xb4: {  	s29 =	simm.s32 $0x9;
	_ =	strace $0x8000004B  }
0xb5: {  	_ =	swait.ge [sflag:s29], $0x1  }
0xb6: {  	[sflag:s29] =	ssyncadd.s32 $0xFFFFFFFF  }
0xb7: {  	_ =	strace $0x9000004B  }
0xb8: {  	_ =	sfence  }
0xb9: {  	s30 =	sld [smem:$0x0];
	_ =	sdelay $0x2  }
0xba: {  	s31 =	sshll.u32 s1, $0xD;
	s1 =	sshrl.u32 s1, $0x2  }
0xbb: {  	s3 =	sand.u32 $0x4000, s31;
	s1 =	sadd.s32 s1, s30  }
0xbc: {  	s0 =	sor.u32 s3, s0;
	s1 =	sshll.u32 s1, $0x11  }
0xbd: {  	s0 =	sor.u32 s1, s0  }
0xbe: {  	s0 =	sadd.s32 $0x8F2B, s0  }
0xbf: {  	[sflag:s0] =	ssyncadd.remote.s32 $0x1  }
0xc0: {  	_ =	sfence.sel $0xFFFF  }
0xc1: {  	[dreg:$0x0] =	wrdreg $0xFFFFFFFF;
	(pc) =	sbr.abs _section_cstart, $3  }
0xc2: {  	[dreg:$0x1] =	wrdreg $0xFFFFFFFF  }
0xc3: {  	_ =	task.clear_ibuf [dreg:s7], $0x2FFFF;
	_ =	strace $0x9FFFFFFF  }
0xc4: {  	(tm) =	ssettm $0x7FFFFFFF  }
0xc5: {  	_ =	shalt  }
tec
execute0_lowered:
.L_overlay_start_1:
0x0: {  	(tag) =	ssettag $0x1  }
0x1: {  	s0 =	rddreg [dreg:$0x0]  }
0x2: {  	s1 =	srdreg.scid;
	s6 =	rddreg [dreg:$0x1]  }
0x3: {  	s2 =	rddreg [dreg:$0x2];
	s11 =	stileid.u32  }
0x4: {  	s3 =	rddreg [dreg:$0x3];
	s28 =	simm.s32 $0x2;
	s29 =	simm.s32 $0x3  }
0x5: {  	s30 =	simm.s32 $0x4;
	s1 =	sand.u32 $0x1, s1;
	s7 =	smul.u32 $0x9E00, s11  }
0x6: {  	s31 =	simm.s32 $0x2A80;
	s10 =	smul.u32 $0x50, s11;
	s4 =	sshll.u32 s1, $0x4  }
0x7: {  	s8 =	smul.u32 $0x9E000, s1;
	s21 =	ssub.s32 $0x2, s1;
	p0 =	sne.s32 s1, $0x0  }
0x8: {  	s1 =	simm.s32 $0x4A80;
	s5 =	sor.u32 s11, s4;
	s4 =	simm.s32 $0x0  }
0x9: {  	s9 =	sshrl.u32 s7, $0x3;
	s10 =	sadd.s32 s10, s0;
	s22 =	sshrl.u32 s21, $0x1  }
0xa: {  	s5 =	smul.u32 $0x1400, s5;
	[smem:$0x7FF] =	sst s4;
	s17 =	sadd.s32 s9, s0  }
0xb: {  	s8 =	sadd.s32 s7, s8;
	s26 =	sadd.s32 $0x1C00, s10;
	s18 =	sadd.s32 s6, s9  }
0xc: {  	s6 =	simm.s32 $0x0;
	_ =	strace $0x8000004A;
	s20 =	sshrl.u32 s8, $0x3  }
0xd: {  	s23 =	sadd.s32 $0x2E800, s17;
	s8 =	sadd.s32 s7, s3;
	s25 =	sadd.s32 $0x42400, s17  }
0xe: {  	[dreg:$0x8] =	wrdreg s26;
	s13 =	sadd.s32 $0x56000, s17;
	s14 =	sadd.s32 $0x56400, s17  }
0xf: {  	s15 =	sadd.s32 $0x56800, s17;
	s16 =	sadd.s32 $0x56C00, s17;
	s17 =	sadd.s32 $0x57000, s17  }
0x10: {  	s26 =	simm.s32 $0x1;
	s5 =	sshrl.u32 s5, $0x3;
	[dreg:$0x5] =	wrdreg s23  }
0x11: {  	[dreg:$0x7] =	wrdreg s25;
	s23 =	sshrl.u32 s8, $0x3;
	s25 =	simm.s32 $0x6  }
0x12: {  	s12 =	sadd.s32 s5, s0;
	s0 =	sadd.s32 s20, s0;
	s5 =	sshll.u32 s11, $0x6  }
0x13: {  	s20 =	ssub.s32 s21, s22;
	s21 =	sadd.s32 s7, s2;
	s24 =	sor.u32 $0x1C01, s5  }
0x14: {  	s11 =	sadd.s32 $0x24800, s12;
	s12 =	sadd.s32 $0x29800, s12;
	s19 =	sadd.s32 $0x69C00, s0  }
0x15: {  	s20 =	smax.u32 s20, $0x1;
	s21 =	sshrl.u32 s21, $0x3;
	s22 =	sor.u32 $0x1C02, s5  }
0x16: {  	s0 =	simm.s32 $0x80;
	[dreg:$0x6] =	wrdreg s24;
	s24 =	simm.s32 $0x2800  }
.LBB2_1:
0x17: {  	s7 =	rddreg [dreg:$0x5]  }
0x18: {  	s9 =	rddreg [dreg:$0x6]  }
0x19: {  	[spmem:s21], [sflag:s9] =	dma.local [hbm:s7], $0x13C0  }
0x1a: {  	s7 =	rddreg [dreg:$0x7]  }
0x1b: {  	[spmem:s23], [sflag:s22] =	dma.local [hbm:s7], $0x13C0  }
0x1c: {  	s7 =	rddreg [dreg:$0x8]  }
0x1d: {  	[tilespmem:s24], [sflag:$0x3] =	stream.linear.gather [hbm4b:s7+s4], $0x280, $0x38;
	[tilespmem:$0x1A680] =	vst v63  }
0x1e: {  	_ = 	snop  }
0x1f: {  	[tilespmem:s4], [sflag:$0x4] =	stream.linear.gather [hbm4b:s11+s4], $0x1400, $0x38;
	[tilespmem:$0x1A680] =	vst v63  }
0x20: {  	s9 =	simm.s32 $0x1400  }
0x21: {  	[tilespmem:s9], [sflag:$0x1] =	stream.linear.gather [hbm4b:s12+s4], $0x1400, $0x38;
	[tilespmem:$0x1A680] =	vst v63  }
0x22: {  	_ =	swait.ge [sflag:s26], $0x13C0  }
0x23: {  	[sflag:s26] =	ssyncset.done $0x0  }
0x24: {  	[sflag:s26] =	ssyncadd.s32 $0xFFFFEC40  }
0x25: {  	_ =	swait.ge [sflag:s28], $0x13C0  }
0x26: {  	[sflag:s28] =	ssyncset.done $0x0  }
0x27: {  	[sflag:s28] =	ssyncadd.s32 $0xFFFFEC40  }
0x28: {  	_ =	swait.ge [sflag:s29], $0x280  }
0x29: {  	[sflag:s29] =	ssyncset.done $0x0  }
0x2a: {  	[sflag:s29] =	ssyncadd.s32 $0xFFFFFD80  }
0x2b: {  	_ =	swait.ge [sflag:s30], $0x1400  }
0x2c: {  	[sflag:s30] =	ssyncset.done $0x0  }
0x2d: {  	[sflag:s30] =	ssyncadd.s32 $0xFFFFEC00  }
0x2e: {  	_ =	swait.ge [sflag:s26], $0x1400  }
0x2f: {  	[sflag:s26] =	ssyncset.done $0x0  }
0x30: {  	[sflag:s26] =	ssyncadd.s32 $0xFFFFEC00  }
0x31: {  	[tilespmem:s31], [sflag:$0x1] =	stream.linear.gather [hbm4b:s13+s4], $0x2000, $0x38;
	[tilespmem:$0x1A680] =	vst v63  }
0x32: {  	_ =	swait.ge [sflag:s26], $0x2000  }
0x33: {  	[sflag:s26] =	ssyncset.done $0x0  }
0x34: {  	[sflag:s26] =	ssyncadd.s32 $0xFFFFE000  }
0x35: {  	[tilespmem:s1], [sflag:$0x2] =	stream.linear.gather [hbm4b:s14+s4], $0x2000, $0x38;
	[tilespmem:$0x1A680] =	vst v63  }
0x36: {  	_ = 	snop  }
0x37: {  	[spmem:s3] =	stream.indirect.scatter.add.f32 [tilespmem:s31], [sflag:$0x6], $0x40, s24, s0, $0xb8;
	[tilespmem:$0x1A680] =	vst v63  }
0x38: {  	_ =	swait.ge [sflag:s25], $0x2000  }
0x39: {  	[sflag:s25] =	ssyncset.done $0x0  }
0x3a: {  	[sflag:s25] =	ssyncadd.s32 $0xFFFFE000  }
0x3b: {  	_ =	swait.ge [sflag:s28], $0x2000  }
0x3c: {  	[sflag:s28] =	ssyncset.done $0x0  }
0x3d: {  	[sflag:s28] =	ssyncadd.s32 $0xFFFFE000  }
0x3e: {  	[tilespmem:s31], [sflag:$0x1] =	stream.linear.gather [hbm4b:s15+s4], $0x2000, $0x38;
	[tilespmem:$0x1A680] =	vst v63  }
0x3f: {  	s10 =	simm.s32 $0x2880  }
0x40: {  	[spmem:s3] =	stream.indirect.scatter.add.f32 [tilespmem:s1], [sflag:$0x6], $0x40, s10, s0, $0xb8;
	[tilespmem:$0x1A680] =	vst v63  }
0x41: {  	_ =	swait.ge [sflag:s25], $0x2000  }
0x42: {  	[sflag:s25] =	ssyncset.done $0x0  }
0x43: {  	[sflag:s25] =	ssyncadd.s32 $0xFFFFE000  }
0x44: {  	_ =	swait.ge [sflag:s26], $0x2000  }
0x45: {  	[sflag:s26] =	ssyncset.done $0x0  }
0x46: {  	[sflag:s26] =	ssyncadd.s32 $0xFFFFE000  }
0x47: {  	[tilespmem:s1], [sflag:$0x2] =	stream.linear.gather [hbm4b:s16+s4], $0x2000, $0x38;
	[tilespmem:$0x1A680] =	vst v63  }
0x48: {  	s9 =	simm.s32 $0x2900  }
0x49: {  	[spmem:s3] =	stream.indirect.scatter.add.f32 [tilespmem:s31], [sflag:$0x6], $0x40, s9, s0, $0xb8;
	[tilespmem:$0x1A680] =	vst v63  }
0x4a: {  	_ =	swait.ge [sflag:s25], $0x2000  }
0x4b: {  	[sflag:s25] =	ssyncset.done $0x0  }
0x4c: {  	[sflag:s25] =	ssyncadd.s32 $0xFFFFE000  }
0x4d: {  	_ =	swait.ge [sflag:s28], $0x2000  }
0x4e: {  	[sflag:s28] =	ssyncset.done $0x0  }
0x4f: {  	[sflag:s28] =	ssyncadd.s32 $0xFFFFE000  }
0x50: {  	[tilespmem:s31], [sflag:$0x1] =	stream.linear.gather [hbm4b:s17+s4], $0x1E00, $0x38;
	[tilespmem:$0x1A680] =	vst v63  }
0x51: {  	s10 =	simm.s32 $0x2980  }
0x52: {  	[spmem:s3] =	stream.indirect.scatter.add.f32 [tilespmem:s1], [sflag:$0x6], $0x40, s10, s0, $0xb8;
	[tilespmem:$0x1A680] =	vst v63  }
0x53: {  	_ =	swait.ge [sflag:s25], $0x2000  }
0x54: {  	[sflag:s25] =	ssyncset.done $0x0  }
0x55: {  	[sflag:s25] =	ssyncadd.s32 $0xFFFFE000  }
0x56: {  	_ =	swait.ge [sflag:s26], $0x1E00  }
0x57: {  	[sflag:s26] =	ssyncset.done $0x0  }
0x58: {  	s9 =	simm.s32 $0x2A00;
	[sflag:s26] =	ssyncadd.s32 $0xFFFFE200  }
0x59: {  	[spmem:s3] =	stream.indirect.scatter.add.f32 [tilespmem:s31], [sflag:$0x6], $0x40, s9, s0, $0xb8;
	[tilespmem:$0x1A680] =	vst v63  }
0x5a: {  	_ =	swait.ge [sflag:s25], $0x2000  }
0x5b: {  	s7 =	stileid.u32;
	[sflag:s25] =	ssyncset.done $0x0  }
0x5c: {  	s7 =	sshll.u32 @!p0 s7, $0x6;
	[sflag:s25] =	ssyncadd.s32 $0xFFFFE000  }
0x5d: {  	s7 =	sor.u32 @!p0 $0x1C05, s7;
	s9 =	sshrl.u32 @!p0 s8, $0x3;
	[bflag:$0x0] =	sbarrier.arrive $0xFFFF  }
0x5e: {  	[hbm:s18], [sflag:s7] =	dma.local @!p0 [spmem:s9], $0x13C0  }
0x5f: {  	[tilespmem:s31], [sflag:$0x1] =	stream.indirect.gather [spmem:s3], $0x40, s4, s0, $0xb8;
	[tilespmem:$0x1A680] =	vst v63  }
0x60: {  	_ = 	snop  }
0x61: {  	[tilespmem:s1], [sflag:$0x2] =	stream.indirect.gather [spmem:s3], $0x40, s0, s0, $0xb8;
	[tilespmem:$0x1A680] =	vst v63  }
0x62: {  	_ =	swait.ge [sflag:s26], $0x2000  }
0x63: {  	[sflag:s26] =	ssyncset.done $0x0  }
0x64: {  	s10 =	simm.s32 $0x1400;
	[sflag:s26] =	ssyncadd.s32 $0xFFFFE000  }
0x65: {  	[spmem:s2] =	stream.indirect.scatter.add.f32 [tilespmem:s31], [sflag:$0x3], $0x40, s10, s0, $0xb8;
	[tilespmem:$0x1A680] =	vst v63  }
0x66: {  	_ =	swait.ge [sflag:s28], $0x2000  }
0x67: {  	[sflag:s28] =	ssyncset.done $0x0  }
0x68: {  	s9 =	simm.s32 $0x1480;
	[sflag:s28] =	ssyncadd.s32 $0xFFFFE000  }
0x69: {  	[spmem:s2] =	stream.indirect.scatter.add.f32 [tilespmem:s1], [sflag:$0x4], $0x40, s9, s0, $0xb8;
	[tilespmem:$0x1A680] =	vst v63  }
0x6a: {  	_ =	swait.ge [sflag:s29], $0x2000  }
0x6b: {  	[sflag:s29] =	ssyncset.done $0x0  }
0x6c: {  	s10 =	simm.s32 $0x100;
	[sflag:s29] =	ssyncadd.s32 $0xFFFFE000  }
0x6d: {  	[tilespmem:s31], [sflag:$0x1] =	stream.indirect.gather [spmem:s3], $0x40, s10, s0, $0xb8;
	[tilespmem:$0x1A680] =	vst v63  }
0x6e: {  	_ =	swait.ge [sflag:s30], $0x2000  }
0x6f: {  	[sflag:s30] =	ssyncset.done $0x0  }
0x70: {  	s7 =	simm.s32 $0x400;
	s9 =	simm.s32 $0x180;
	[sflag:s30] =	ssyncadd.s32 $0xFFFFE000  }
.LBB2_2:
0x71: {  	[tilespmem:s1], [sflag:$0x2] =	stream.indirect.gather [spmem:s3], $0x40, s9, s0, $0xb8;
	[tilespmem:$0x1A680] =	vst v63  }
0x72: {  	s9 =	smov.u32 s7  }
0x73: {  	p1 =	sne.s32 s7, $0x4800;
	s7 =	sadd.s32 $0x400, s7;
	_ =	swait.ge [sflag:s26], $0x2000  }
0x74: {  	s9 =	sshra.s32 s9, $0x2;
	[sflag:s26] =	ssyncset.done $0x0  }
0x75: {  	s10 =	sadd.s32 $0x1400, s9;
	[sflag:s26] =	ssyncadd.s32 $0xFFFFE000  }
0x76: {  	[spmem:s2] =	stream.indirect.scatter.add.f32 [tilespmem:s31], [sflag:$0x3], $0x40, s10, s0, $0xb8;
	[tilespmem:$0x1A680] =	vst v63  }
0x77: {  	_ =	swait.ge [sflag:s28], $0x2000  }
0x78: {  	[sflag:s28] =	ssyncset.done $0x0  }
0x79: {  	s10 =	sadd.s32 $0x1480, s9;
	[sflag:s28] =	ssyncadd.s32 $0xFFFFE000  }
0x7a: {  	[spmem:s2] =	stream.indirect.scatter.add.f32 [tilespmem:s1], [sflag:$0x4], $0x40, s10, s0, $0xb8;
	[tilespmem:$0x1A680] =	vst v63  }
0x7b: {  	_ =	swait.ge [sflag:s29], $0x2000  }
0x7c: {  	[sflag:s29] =	ssyncset.done $0x0  }
.Ltmp0:
0x7d: {  	s10 =	sadd.s32 $0x100, s9;
	[sflag:s29] =	ssyncadd.s32 $0xFFFFE000;
	(pc) =	sbr.rel @p1 .LBB2_2-.Ltmp0, $4  }
0x7e: {  	[tilespmem:s31], [sflag:$0x1] =	stream.indirect.gather [spmem:s3], $0x40, s10, s0, $0xb8;
	[tilespmem:$0x1A680] =	vst v63  }
0x7f: {  	_ =	swait.ge [sflag:s30], $0x2000  }
0x80: {  	[sflag:s30] =	ssyncset.done $0x0  }
0x81: {  	s9 =	sadd.s32 $0x180, s9;
	[sflag:s30] =	ssyncadd.s32 $0xFFFFE000  }
0x82: {  	[tilespmem:s1], [sflag:$0x2] =	stream.indirect.gather [spmem:s3], $0x40, s9, s0, $0xb8;
	[tilespmem:$0x1A680] =	vst v63  }
0x83: {  	_ =	swait.ge [sflag:s26], $0x2000  }
0x84: {  	[sflag:s26] =	ssyncset.done $0x0  }
0x85: {  	s7 =	simm.s32 $0x2700;
	[sflag:s26] =	ssyncadd.s32 $0xFFFFE000  }
0x86: {  	[spmem:s2] =	stream.indirect.scatter.add.f32 [tilespmem:s31], [sflag:$0x3], $0x40, s7, s0, $0xb8;
	[tilespmem:$0x1A680] =	vst v63  }
0x87: {  	_ =	swait.ge [sflag:s28], $0x2000  }
0x88: {  	[sflag:s28] =	ssyncset.done $0x0  }
0x89: {  	s9 =	simm.s32 $0x2780;
	[sflag:s28] =	ssyncadd.s32 $0xFFFFE000  }
0x8a: {  	[spmem:s2] =	stream.indirect.scatter.add.f32 [tilespmem:s1], [sflag:$0x4], $0x40, s9, s0, $0xb8;
	[tilespmem:$0x1A680] =	vst v63  }
0x8b: {  	_ =	swait.ge [sflag:s29], $0x2000  }
0x8c: {  	[sflag:s29] =	ssyncset.done $0x0  }
0x8d: {  	[sflag:s29] =	ssyncadd.s32 $0xFFFFE000  }
0x8e: {  	_ =	swait.ge [sflag:s30], $0x2000  }
0x8f: {  	[sflag:s30] =	ssyncset.done $0x0  }
0x90: {  	s7 =	simm.s32 @!p0 $0x5;
	[sflag:s30] =	ssyncadd.s32 $0xFFFFE000  }
0x91: {  	_ =	swait.ge @!p0 [sflag:s7], $0x13C0  }
0x92: {  	s6 =	sadd.s32 $0x1, s6;
	[sflag:s7] =	ssyncset.done @!p0 $0x0  }
0x93: {  	p1 =	sne.s32 s6, s20;
	[sflag:s7] =	ssyncadd.s32 @!p0 $0xFFFFEC40  }
.Ltmp1:
0x94: {  	s10 =	sor.u32 $0x1C06, s5;
	[bflag:$0x0] =	sbarrier.arrive $0xFFFF;
	(pc) =	sbr.rel @p1 .LBB2_1-.Ltmp1, $4  }
0x95: {  	[hbm:s19], [sflag:s10] =	dma.local [spmem:s21], $0x13C0  }
0x96: {  	_ =	swait.ge [sflag:s25], $0x13C0  }
0x97: {  	[sflag:s25] =	ssyncset.done $0x0  }
0x98: {  	[sflag:s25] =	ssyncadd.s32 $0xFFFFEC40  }
0x99: {  	_ =	sfence.sel $0x180000  }
0x9a: {  	[bflag:$0x0] =	sbarrier.arrive $0xFFFF  }
0x9b: {  	_ =	strace $0x9000004A  }
0x9c: {  	s0 =	stileid.u32;
	[bflag:$0x2] =	sbarrier.arrive $0xFFFF  }
0x9d: {  	p0 =	sne.s32 s0, $0x0;
	s0 =	rddreg [dreg:$0x4]  }
0x9e: {  	s0 =	sadd.s32 @!p0 $0x100000, s0  }
0x9f: {  	[sflag:s0] =	ssyncadd.tile.s32 @!p0 $0x1;
	_ =	shalt  }
.Lfunc_end2:
_tile_overlayer_lowered:
.L_overlay_start_2:
0xa0: {  	(tag) =	ssettag $0x2  }
0xa1: {  	s0 =	rddreg [dreg:$0x0];
	s2 =	stileid.u32  }
0xa2: {  	s1 =	rddreg [dreg:$0x1];
	p0 =	sne.s32 s2, $0x0  }
0xa3: {  	s3 =	rddreg [dreg:$0x2];
	[bflag:$0x3] =	sbarrier.arrive $0xFFFF;
	s2 =	simm.s32 @!p0 $0x1C06  }
0xa4: {  	[timem:s3], [sflag:s2] =	dma.local @!p0 [hbm:s0], s1  }
0xa5: {  	s0 =	simm.s32 @!p0 $0x6  }
0xa6: {  	_ =	swait.ge @!p0 [sflag:s0], s1  }
0xa7: {  	s1 =	ssub.s32 @!p0 $0x0, s1;
	[sflag:s0] =	ssyncset.done @!p0 $0x0  }
0xa8: {  	[sflag:s0] =	ssyncadd.s32 @!p0 s1  }
0xa9: {  	[bflag:$0x3] =	sbarrier.arrive $0xFFFF  }
0xaa: {  	_ =	shalt  }

// kernel: kernel.7.cloned.1.call-start
scs
__scs_entry_jumppad:
0x0: {  	(pc) =	sbr.rel $0x88, $3  }
0x1: {  	(tag) =	ssettag $0x0;
	lr =	simm.s32 $0x1  }
0x2: {  	[smem:$0x3F97] =	sst lr;
	_ =	strace $0xD0000000  }
0x3: {  	_ = 	snop  }
0x4: {  	_ = 	snop  }
0x5: {  	_ = 	snop  }
0x6: {  	_ = 	snop  }
0x7: {  	_ = 	snop  }
__scs_overlays_trampoline_lowered:
0x8: {  	[smem:$0x3FA6] =	sst s0  }
0x9: {  	[smem:$0x3FA7] =	sst s1  }
0xa: {  	[smem:$0x3FA8] =	sst s2  }
0xb: {  	[smem:$0x3FA9] =	sst s3  }
0xc: {  	[smem:$0x3FAA] =	sst s4  }
0xd: {  	[smem:$0x3FAB] =	sst s5  }
0xe: {  	[smem:$0x3FAC] =	sst s6  }
0xf: {  	[smem:$0x3FAD] =	sst s7  }
0x10: {  	[smem:$0x3FAE] =	sst s8  }
0x11: {  	[smem:$0x3FAF] =	sst s9;
	s0 =	simm.s32 @!p0 $0x0  }
0x12: {  	s1 =	sld [smem:$0x3F95];
	s0 =	simm.s32 @p0 $0x1  }
0x13: {  	[smem:$0x3FB0] =	sst s0;
	s0 =	simm.s32 @!p1 $0x0  }
0x14: {  	s2 =	sld [smem:$0x3F94];
	s0 =	simm.s32 @p1 $0x1  }
0x15: {  	[smem:$0x3FB1] =	sst s0;
	s0 =	simm.s32 @!p2 $0x0  }
0x16: {  	s3 =	sld [smem:$0x3FDB];
	s0 =	simm.s32 @p2 $0x1  }
0x17: {  	s4 =	simm.s32 $0x1BF5;
	[smem:$0x3FB3] =	sst s0  }
0x18: {  	s0 =	sld [smem:$0x3F96];
	_ =	swait.ge [sflag:s4], $0x0  }
0x19: {  	s7 =	sld [smem:$0x3F97]  }
0x1a: {  	s8 =	sadd.s32 $0xFFFFE003, lr  }
0x1b: {  	s9 =	sadd.s32 $0xFFFFFEF7, lr;
	s5 =	simm.s32 $0xFFFFFFFF;
	p2 =	slt.u32 s8, $0xFFFFF086  }
0x1c: {  	p1 =	slt.u32 s9, $0xF7A;
	s5 =	simm.s32 @!p2 $0x0  }
0x1d: {  	s5 =	simm.s32 @p1 $0x1;
	p0 =	seq.s32 s7, s2  }
0x1e: {  	s7 =	smul.u32 @!p0 $0xF7A, s2;
	p2 =	seq.s32 @!p0 s5, $0x0  }
0x1f: {  	s9 =	smul.u32 $0xF7A, s1;
	s8 =	simm.s32 @!p0 $0x1BF5;
	p2 =	por !p2, p0  }
0x20: {  	[sflag:s8] =	ssyncset.s32 @!p0 $0xFFFFF086;
	s6 =	sadd.s32 @!p0 s3, s7;
	s7 =	simm.s32 @!p0 $0x108  }
0x21: {  	s3 =	sadd.s32 s3, s9;
	s6 =	sadd.s32 @!p0 $0x88, s6;
	s7 =	simm.s32 @p2 $0x1082  }
0x22: {  	[simem:s7], [sflag:s8] =	dma.local @!p0 [hbm:s6], $0xF7A  }
0x23: {  	s9 =	sor.u32 $0xD0000000, s2;
	s6 =	simm.s32 $0x108;
	_ =	swait.ge @!p0 [sflag:s8], $0x0  }
0x24: {  	s3 =	sadd.s32 $0x88, s3;
	s6 =	simm.s32 @!p1 $0x1082;
	[sflag:s4] =	ssyncset.s32 $0xFFFFF086  }
0x25: {  	[simem:s6], [sflag:s4] =	dma.local [hbm:s3], $0xF7A  }
0x26: {  	[smem:$0x3F97] =	sst s1;
	(tag) =	ssettag s2;
	_ =	strace s9  }
0x27: {  	s1 =	sld [smem:$0x3FA7]  }
0x28: {  	s2 =	sld [smem:$0x3FA8]  }
0x29: {  	s4 =	sld [smem:$0x3FAA]  }
0x2a: {  	p0 =	seq.s32 s5, $0x0;
	s5 =	sld [smem:$0x3FAB]  }
0x2b: {  	s6 =	sld [smem:$0x3FAC]  }
0x2c: {  	s7 =	sld [smem:$0x3FAD]  }
0x2d: {  	s3 =	simm.s32 $0x108;
	s8 =	sld [smem:$0x3FAE]  }
0x2e: {  	s3 =	simm.s32 @!p0 $0x1082;
	s9 =	sld [smem:$0x3FAF]  }
0x2f: {  	lr =	sadd.s32 s0, s3;
	s0 =	sld [smem:$0x3FA6]  }
0x30: {  	s3 =	sld [smem:$0x3FA9]  }
0x31: {  	[smem:$0x3FB2] =	sst s10  }
0x32: {  	s10 =	sld [smem:$0x3FB0];
	_ =	sdelay $0x3  }
0x33: {  	p0 =	seq.s32 s10, $0x1;
	s10 =	sld [smem:$0x3FB2];
	_ =	sdelay $0x3  }
0x34: {  	[smem:$0x3FB2] =	sst s10  }
0x35: {  	s10 =	sld [smem:$0x3FB1];
	_ =	sdelay $0x3  }
0x36: {  	p1 =	seq.s32 s10, $0x1;
	s10 =	sld [smem:$0x3FB2];
	_ =	sdelay $0x3  }
0x37: {  	[smem:$0x3FB2] =	sst s10  }
0x38: {  	s10 =	sld [smem:$0x3FB3]  }
0x39: {  	_ = 	snop;
	(pc) =	sbr.ind lr, $3  }
0x3a: {  	_ = 	snop  }
0x3b: {  	_ = 	snop  }
0x3c: {  	p2 =	seq.s32 s10, $0x1;
	s10 =	sld [smem:$0x3FB2]  }
0x3d: {  	_ =	shalt  }
0x3e: {  	_ =	shalt  }
0x3f: {  	_ =	shalt  }
0x40: {  	_ =	shalt  }
0x41: {  	_ =	shalt  }
0x42: {  	_ =	shalt  }
0x43: {  	_ =	shalt  }
0x44: {  	_ =	shalt  }
0x45: {  	_ =	shalt  }
0x46: {  	_ =	shalt  }
0x47: {  	_ =	shalt  }
0x48: {  	_ =	shalt  }
0x49: {  	_ =	shalt  }
0x4a: {  	_ =	shalt  }
0x4b: {  	_ =	shalt  }
0x4c: {  	_ =	shalt  }
0x4d: {  	_ =	shalt  }
0x4e: {  	_ =	shalt  }
0x4f: {  	_ =	shalt  }
0x50: {  	_ =	shalt  }
0x51: {  	_ =	shalt  }
0x52: {  	_ =	shalt  }
0x53: {  	_ =	shalt  }
0x54: {  	_ =	shalt  }
0x55: {  	_ =	shalt  }
0x56: {  	_ =	shalt  }
0x57: {  	_ =	shalt  }
0x58: {  	_ =	shalt  }
0x59: {  	_ =	shalt  }
0x5a: {  	_ =	shalt  }
0x5b: {  	_ =	shalt  }
0x5c: {  	_ =	shalt  }
0x5d: {  	_ =	shalt  }
0x5e: {  	_ =	shalt  }
0x5f: {  	_ =	shalt  }
0x60: {  	_ =	shalt  }
0x61: {  	_ =	shalt  }
0x62: {  	_ =	shalt  }
0x63: {  	_ =	shalt  }
0x64: {  	_ =	shalt  }
0x65: {  	_ =	shalt  }
0x66: {  	_ =	shalt  }
0x67: {  	_ =	shalt  }
0x68: {  	_ =	shalt  }
0x69: {  	_ =	shalt  }
0x6a: {  	_ =	shalt  }
0x6b: {  	_ =	shalt  }
0x6c: {  	_ =	shalt  }
0x6d: {  	_ =	shalt  }
0x6e: {  	_ =	shalt  }
0x6f: {  	_ =	shalt  }
0x70: {  	_ =	shalt  }
0x71: {  	_ =	shalt  }
0x72: {  	_ =	shalt  }
0x73: {  	_ =	shalt  }
0x74: {  	_ =	shalt  }
0x75: {  	_ =	shalt  }
0x76: {  	_ =	shalt  }
0x77: {  	_ =	shalt  }
0x78: {  	_ =	shalt  }
0x79: {  	_ =	shalt  }
0x7a: {  	_ =	shalt  }
0x7b: {  	_ =	shalt  }
0x7c: {  	_ =	shalt  }
0x7d: {  	_ =	shalt  }
0x7e: {  	_ =	shalt  }
0x7f: {  	_ =	shalt  }
0x80: {  	_ =	shalt  }
0x81: {  	_ =	shalt  }
0x82: {  	_ =	shalt  }
0x83: {  	_ =	shalt  }
0x84: {  	_ =	shalt  }
0x85: {  	_ =	shalt  }
0x86: {  	_ =	shalt  }
0x87: {  	_ =	shalt  }
.Lfunc_end0:
.L_simem_size_0:
called_computation_lowered:
.L_overlay_start_0:
0x88: {  	s2 =	sld [smem:$0x3FD9]  }
0x89: {  	s3 =	sld [smem:$0x3FFE];
	_ =	sdelay $0x1  }
0x8a: {  	s1 =	srdreg.scid  }
0x8b: {  	s0 =	sand.u32 $0x1, s1  }
0x8c: {  	s17 =	sshll.u32 s0, $0xA;
	s2 =	sadd.s32 s3, s2  }
0x8d: {  	s2 =	sadd.s32 s2, s17  }
0x8e: {  	[smem:$0x3FBE] =	sst s2  }
0x8f: {  	_ = 	snop  }
0x90: {  	s2 =	sld [smem:$0x3FD0];
	(tm) =	ssettm $0x1  }
0x91: {  	s18 =	sld [smem:$0x3FFB];
	_ =	sdelay $0x3  }
0x92: {  	_ =	strace s18  }
0x93: {  	s3 =	sld [smem:$0x3FFC];
	_ =	sdelay $0x3  }
0x94: {  	_ =	strace s3  }
0x95: {  	s3 =	sld [smem:$0x3FFD];
	_ =	sdelay $0x3  }
0x96: {  	_ =	strace s3  }
0x97: {  	_ =	strace $0x8FFFFFFF  }
0x98: {  	s19 =	sld [smem:$0x3FDB];
	_ =	sdelay $0x1  }
0x99: {  	s4 =	simm.s32 $_scs_section_size  }
0x9a: {  	s5 =	simm.s32 $_size__tile_overlayer_lowered;
	s6 =	simm.s32 $_tile_overlayer_lowered  }
0x9b: {  	s22 =	simm.s32 $0x1BFF;
	s21 =	sshll.u32 s6, $0x1;
	s3 =	sadd.s32 s4, s19  }
0x9c: {  	s7 =	simm.s32 $0x0;
	s20 =	sshll.u32 s5, $0x1;
	s5 =	sadd.s32 s21, s3  }
0x9d: {  	[timem:s7], [sflag:s22] =	dma.local [hbm:s5], s20  }
0x9e: {  	_ =	swait.ge [sflag:s22], s20  }
0x9f: {  	s4 =	ssub.s32 $0x0, s20;
	[sflag:s22] =	ssyncset.done $0x0  }
0xa0: {  	[sflag:s22] =	ssyncadd.s32 s4;
	_ =	sdelay $0x1  }
0xa1: {  	s23 =	simm.s32 $0x1B8B  }
0xa2: {  	_ =	swait.ge [sflag:s23], $0x1  }
0xa3: {  	[sflag:s23] =	ssyncset.done $0x0  }
0xa4: {  	s25 =	simm.s32 $0x1B8E;
	s24 =	sld [smem:$0x3FFE];
	[sflag:s23] =	ssyncadd.s32 $0xFFFFFFFF  }
0xa5: {  	s26 =	simm.s32 $execute0_lowered;
	[smem:$0x3FD2] =	sst s25  }
0xa6: {  	s5 =	sshll.u32 s26, $0x1;
	_ =	strace $0x80000046;
	[dreg:$0x1] =	wrdreg $0xFFFFFFFF  }
0xa7: {  	s28 =	simm.s32 $_size_execute0_lowered;
	s3 =	sadd.s32 s3, s5;
	[dreg:$0x0] =	wrdreg $0x0  }
0xa8: {  	s5 =	sshll.u32 s28, $0x1;
	[dreg:$0x2] =	wrdreg s3  }
0xa9: {  	[dreg:$0x3] =	wrdreg s5  }
0xaa: {  	[dreg:$0x4] =	wrdreg $0xC0  }
0xab: {  	_ =	task [dreg:s7], $0x5FFFF  }
0xac: {  	[dreg:$0x1] =	wrdreg $0xFFFFFFFF  }
0xad: {  	[dreg:$0x0] =	wrdreg $0x60  }
0xae: {  	[dreg:$0x2] =	wrdreg s2  }
0xaf: {  	[dreg:$0x3] =	wrdreg s24  }
0xb0: {  	[dreg:$0x4] =	wrdreg $0x90000  }
0xb1: {  	[dreg:$0x5] =	wrdreg $0x12E000  }
0xb2: {  	[dreg:$0x6] =	wrdreg $0x9  }
0xb3: {  	_ =	task.clear_ibuf [dreg:s7], $0x7FFFF;
	_ =	strace $0x90000046  }
0xb4: {  	s29 =	simm.s32 $0x9;
	_ =	strace $0x80000048  }
0xb5: {  	_ =	swait.ge [sflag:s29], $0x1  }
0xb6: {  	[sflag:s29] =	ssyncadd.s32 $0xFFFFFFFF  }
0xb7: {  	_ =	strace $0x90000048  }
0xb8: {  	_ =	sfence  }
0xb9: {  	s30 =	sld [smem:$0x0];
	_ =	sdelay $0x2  }
0xba: {  	s31 =	sshll.u32 s1, $0xD;
	s1 =	sshrl.u32 s1, $0x2  }
0xbb: {  	s3 =	sand.u32 $0x4000, s31;
	s1 =	sadd.s32 s1, s30  }
0xbc: {  	s0 =	sor.u32 s3, s0;
	s1 =	sshll.u32 s1, $0x11  }
0xbd: {  	s0 =	sor.u32 s1, s0  }
0xbe: {  	s0 =	sadd.s32 $0x8F2B, s0  }
0xbf: {  	[sflag:s0] =	ssyncadd.remote.s32 $0x1  }
0xc0: {  	_ =	sfence.sel $0xFFFF  }
0xc1: {  	[dreg:$0x0] =	wrdreg $0xFFFFFFFF;
	(pc) =	sbr.abs _section_cstart, $3  }
0xc2: {  	[dreg:$0x1] =	wrdreg $0xFFFFFFFF  }
0xc3: {  	_ =	task.clear_ibuf [dreg:s7], $0x2FFFF;
	_ =	strace $0x9FFFFFFF  }
0xc4: {  	(tm) =	ssettm $0x7FFFFFFF  }
0xc5: {  	_ =	shalt  }
tec
execute0_lowered:
.L_overlay_start_1:
0x0: {  	(tag) =	ssettag $0x1  }
0x1: {  	s0 =	rddreg [dreg:$0x0]  }
0x2: {  	s1 =	rddreg [dreg:$0x1]  }
0x3: {  	s2 =	rddreg [dreg:$0x2]  }
0x4: {  	s3 =	rddreg [dreg:$0x3]  }
0x5: {  	s4 =	srdreg.scid;
	s11 =	stileid.u32  }
0x6: {  	s20 =	simm.s32 $0x2800;
	s22 =	simm.s32 $0x1;
	s23 =	simm.s32 $0x2  }
0x7: {  	s24 =	simm.s32 $0x3;
	s25 =	simm.s32 $0x4;
	s26 =	simm.s32 $0x80  }
0x8: {  	s28 =	simm.s32 $0x5000;
	s29 =	simm.s32 $0x7000;
	s30 =	simm.s32 $0x0  }
0x9: {  	s5 =	sand.u32 $0x1, s4;
	s4 =	simm.s32 $0x0;
	s8 =	smul.u32 $0x9E00, s11  }
0xa: {  	s6 =	sshll.u32 s5, $0x4;
	[smem:$0x7FF] =	sst s4;
	s7 =	smul.u32 $0x9E000, s5  }
0xb: {  	s5 =	ssub.s32 $0x2, s5;
	s6 =	sor.u32 s11, s6;
	_ =	strace $0x80000047  }
0xc: {  	s9 =	sshrl.u32 s8, $0x3;
	s10 =	sshrl.u32 s5, $0x1;
	s16 =	sadd.s32 s8, s2  }
0xd: {  	s18 =	sadd.s32 s8, s3;
	s6 =	smul.u32 $0x1400, s6;
	s13 =	sadd.s32 s9, s1  }
0xe: {  	s7 =	sadd.s32 s8, s7;
	s15 =	ssub.s32 s5, s10;
	s8 =	sadd.s32 s0, s9  }
0xf: {  	s16 =	sshrl.u32 s16, $0x3;
	s18 =	sshrl.u32 s18, $0x3;
	s0 =	simm.s32 $0x5  }
0x10: {  	s7 =	sshrl.u32 s7, $0x3;
	s5 =	sadd.s32 $0x2E800, s13;
	s6 =	sshrl.u32 s6, $0x3  }
0x11: {  	s13 =	sadd.s32 $0x6C00, s13;
	s12 =	sadd.s32 s6, s1;
	s6 =	sshll.u32 s11, $0x6  }
0x12: {  	s15 =	smax.u32 s15, $0x1;
	s1 =	sadd.s32 s7, s1;
	s7 =	sor.u32 $0x1C01, s6  }
0x13: {  	s9 =	sadd.s32 $0x1A800, s12;
	s10 =	sadd.s32 $0x1F800, s12;
	s11 =	sadd.s32 $0x24800, s12  }
0x14: {  	s12 =	sadd.s32 $0x29800, s12;
	s14 =	sadd.s32 $0x42400, s1;
	s17 =	sor.u32 $0x1C02, s6  }
.LBB2_1:
0x15: {  	[spmem:s16], [sflag:s7] =	dma.local [hbm:s5], $0x13C0  }
0x16: {  	[spmem:s18], [sflag:s17] =	dma.local [hbm:s8], $0x13C0  }
0x17: {  	[tilespmem:s4], [sflag:$0x3] =	stream.linear.gather [hbm4b:s9+s4], $0x1400, $0x38;
	[tilespmem:$0x1CC00] =	vst v63  }
0x18: {  	s1 =	simm.s32 $0x1400  }
0x19: {  	[tilespmem:s1], [sflag:$0x4] =	stream.linear.gather [hbm4b:s10+s4], $0x1400, $0x38;
	[tilespmem:$0x1CC00] =	vst v63  }
0x1a: {  	_ = 	snop  }
0x1b: {  	[tilespmem:s20], [sflag:$0x1] =	stream.linear.gather [hbm4b:s11+s4], $0x1400, $0x38;
	[tilespmem:$0x1CC00] =	vst v63  }
0x1c: {  	s19 =	simm.s32 $0x3C00  }
0x1d: {  	[tilespmem:s19], [sflag:$0x2] =	stream.linear.gather [hbm4b:s12+s4], $0x1400, $0x38;
	[tilespmem:$0x1CC00] =	vst v63  }
0x1e: {  	_ =	swait.ge [sflag:s22], $0x13C0  }
0x1f: {  	[sflag:s22] =	ssyncset.done $0x0  }
0x20: {  	[sflag:s22] =	ssyncadd.s32 $0xFFFFEC40  }
0x21: {  	_ =	swait.ge [sflag:s23], $0x13C0  }
0x22: {  	[sflag:s23] =	ssyncset.done $0x0  }
0x23: {  	[sflag:s23] =	ssyncadd.s32 $0xFFFFEC40  }
0x24: {  	_ =	swait.ge [sflag:s24], $0x1400  }
0x25: {  	[sflag:s24] =	ssyncset.done $0x0  }
0x26: {  	[sflag:s24] =	ssyncadd.s32 $0xFFFFEC00  }
0x27: {  	_ =	swait.ge [sflag:s25], $0x1400  }
0x28: {  	[sflag:s25] =	ssyncset.done $0x0  }
0x29: {  	[sflag:s25] =	ssyncadd.s32 $0xFFFFEC00  }
0x2a: {  	_ =	swait.ge [sflag:s22], $0x1400  }
0x2b: {  	[sflag:s22] =	ssyncset.done $0x0  }
0x2c: {  	[sflag:s22] =	ssyncadd.s32 $0xFFFFEC00  }
0x2d: {  	_ =	swait.ge [sflag:s23], $0x1400  }
0x2e: {  	[sflag:s23] =	ssyncset.done $0x0  }
0x2f: {  	[sflag:s23] =	ssyncadd.s32 $0xFFFFEC00  }
0x30: {  	[bflag:$0x0] =	sbarrier.arrive $0xFFFF  }
0x31: {  	[tilespmem:s28], [sflag:$0x1] =	stream.indirect.gather [spmem:s3], $0x40, s4, s26, $0xb8;
	[tilespmem:$0x1CC00] =	vst v63  }
0x32: {  	_ = 	snop  }
0x33: {  	[tilespmem:s29], [sflag:$0x2] =	stream.indirect.gather [spmem:s3], $0x40, s26, s26, $0xb8;
	[tilespmem:$0x1CC00] =	vst v63  }
0x34: {  	_ =	swait.ge [sflag:s22], $0x2000  }
0x35: {  	[sflag:s22] =	ssyncset.done $0x0  }
0x36: {  	s21 =	simm.s32 $0x1400;
	[sflag:s22] =	ssyncadd.s32 $0xFFFFE000  }
0x37: {  	[spmem:s2] =	stream.indirect.scatter.add.f32 [tilespmem:s28], [sflag:$0x3], $0x40, s21, s26, $0xb8;
	[tilespmem:$0x1CC00] =	vst v63  }
0x38: {  	_ =	swait.ge [sflag:s23], $0x2000  }
0x39: {  	[sflag:s23] =	ssyncset.done $0x0  }
0x3a: {  	s19 =	simm.s32 $0x1480;
	[sflag:s23] =	ssyncadd.s32 $0xFFFFE000  }
0x3b: {  	[spmem:s2] =	stream.indirect.scatter.add.f32 [tilespmem:s29], [sflag:$0x4], $0x40, s19, s26, $0xb8;
	[tilespmem:$0x1CC00] =	vst v63  }
0x3c: {  	_ =	swait.ge [sflag:s24], $0x2000  }
0x3d: {  	[sflag:s24] =	ssyncset.done $0x0  }
0x3e: {  	s21 =	simm.s32 $0x100;
	[sflag:s24] =	ssyncadd.s32 $0xFFFFE000  }
0x3f: {  	[tilespmem:s28], [sflag:$0x1] =	stream.indirect.gather [spmem:s3], $0x40, s21, s26, $0xb8;
	[tilespmem:$0x1CC00] =	vst v63  }
0x40: {  	_ =	swait.ge [sflag:s25], $0x2000  }
0x41: {  	[sflag:s25] =	ssyncset.done $0x0  }
0x42: {  	s31 =	simm.s32 $0x400;
	s1 =	simm.s32 $0x180;
	[sflag:s25] =	ssyncadd.s32 $0xFFFFE000  }
.LBB2_2:
0x43: {  	[tilespmem:s29], [sflag:$0x2] =	stream.indirect.gather [spmem:s3], $0x40, s1, s26, $0xb8;
	[tilespmem:$0x1CC00] =	vst v63  }
0x44: {  	s1 =	smov.u32 s31  }
0x45: {  	p0 =	sne.s32 s31, $0x4800;
	s31 =	sadd.s32 $0x400, s31;
	_ =	swait.ge [sflag:s22], $0x2000  }
0x46: {  	s1 =	sshra.s32 s1, $0x2;
	[sflag:s22] =	ssyncset.done $0x0  }
0x47: {  	s19 =	sadd.s32 $0x1400, s1;
	[sflag:s22] =	ssyncadd.s32 $0xFFFFE000  }
0x48: {  	[spmem:s2] =	stream.indirect.scatter.add.f32 [tilespmem:s28], [sflag:$0x3], $0x40, s19, s26, $0xb8;
	[tilespmem:$0x1CC00] =	vst v63  }
0x49: {  	_ =	swait.ge [sflag:s23], $0x2000  }
0x4a: {  	[sflag:s23] =	ssyncset.done $0x0  }
0x4b: {  	s19 =	sadd.s32 $0x1480, s1;
	[sflag:s23] =	ssyncadd.s32 $0xFFFFE000  }
0x4c: {  	[spmem:s2] =	stream.indirect.scatter.add.f32 [tilespmem:s29], [sflag:$0x4], $0x40, s19, s26, $0xb8;
	[tilespmem:$0x1CC00] =	vst v63  }
0x4d: {  	_ =	swait.ge [sflag:s24], $0x2000  }
0x4e: {  	[sflag:s24] =	ssyncset.done $0x0  }
.Ltmp0:
0x4f: {  	s19 =	sadd.s32 $0x100, s1;
	[sflag:s24] =	ssyncadd.s32 $0xFFFFE000;
	(pc) =	sbr.rel @p0 .LBB2_2-.Ltmp0, $4  }
0x50: {  	[tilespmem:s28], [sflag:$0x1] =	stream.indirect.gather [spmem:s3], $0x40, s19, s26, $0xb8;
	[tilespmem:$0x1CC00] =	vst v63  }
0x51: {  	_ =	swait.ge [sflag:s25], $0x2000  }
0x52: {  	[sflag:s25] =	ssyncset.done $0x0  }
0x53: {  	s1 =	sadd.s32 $0x180, s1;
	[sflag:s25] =	ssyncadd.s32 $0xFFFFE000  }
0x54: {  	[tilespmem:s29], [sflag:$0x2] =	stream.indirect.gather [spmem:s3], $0x40, s1, s26, $0xb8;
	[tilespmem:$0x1CC00] =	vst v63  }
0x55: {  	_ =	swait.ge [sflag:s22], $0x2000  }
0x56: {  	[sflag:s22] =	ssyncset.done $0x0  }
0x57: {  	s19 =	simm.s32 $0x2700;
	[sflag:s22] =	ssyncadd.s32 $0xFFFFE000  }
0x58: {  	[spmem:s2] =	stream.indirect.scatter.add.f32 [tilespmem:s28], [sflag:$0x3], $0x40, s19, s26, $0xb8;
	[tilespmem:$0x1CC00] =	vst v63  }
0x59: {  	_ =	swait.ge [sflag:s23], $0x2000  }
0x5a: {  	[sflag:s23] =	ssyncset.done $0x0  }
0x5b: {  	s21 =	simm.s32 $0x2780;
	[sflag:s23] =	ssyncadd.s32 $0xFFFFE000  }
0x5c: {  	[spmem:s2] =	stream.indirect.scatter.add.f32 [tilespmem:s29], [sflag:$0x4], $0x40, s21, s26, $0xb8;
	[tilespmem:$0x1CC00] =	vst v63  }
0x5d: {  	_ =	swait.ge [sflag:s24], $0x2000  }
0x5e: {  	[sflag:s24] =	ssyncset.done $0x0  }
0x5f: {  	[sflag:s24] =	ssyncadd.s32 $0xFFFFE000  }
0x60: {  	_ =	swait.ge [sflag:s25], $0x2000  }
0x61: {  	[sflag:s25] =	ssyncset.done $0x0  }
0x62: {  	[sflag:s25] =	ssyncadd.s32 $0xFFFFE000  }
0x63: {  	s31 =	sor.u32 $0x1C05, s6;
	[bflag:$0x0] =	sbarrier.arrive $0xFFFF  }
0x64: {  	[spmem:s18], [sflag:s31] =	dma.local [hbm:s13], $0x13C0  }
0x65: {  	_ =	swait.ge [sflag:s0], $0x13C0  }
0x66: {  	[sflag:s0] =	ssyncset.done $0x0  }
0x67: {  	[sflag:s0] =	ssyncadd.s32 $0xFFFFEC40  }
0x68: {  	[bflag:$0x0] =	sbarrier.arrive $0xFFFF  }
0x69: {  	[tilespmem:s28], [sflag:$0x1] =	stream.indirect.gather [spmem:s3], $0x40, s20, s26, $0xb8;
	[tilespmem:$0x1CC00] =	vst v63  }
0x6a: {  	s19 =	simm.s32 $0x2880  }
0x6b: {  	[tilespmem:s29], [sflag:$0x2] =	stream.indirect.gather [spmem:s3], $0x40, s19, s26, $0xb8;
	[tilespmem:$0x1CC00] =	vst v63  }
0x6c: {  	_ =	swait.ge [sflag:s22], $0x2000  }
0x6d: {  	[sflag:s22] =	ssyncset.done $0x0  }
0x6e: {  	s21 =	simm.s32 $0x3C00;
	[sflag:s22] =	ssyncadd.s32 $0xFFFFE000  }
0x6f: {  	[spmem:s2] =	stream.indirect.scatter.add.f32 [tilespmem:s28], [sflag:$0x3], $0x40, s21, s26, $0xb8;
	[tilespmem:$0x1CC00] =	vst v63  }
0x70: {  	_ =	swait.ge [sflag:s23], $0x2000  }
0x71: {  	[sflag:s23] =	ssyncset.done $0x0  }
0x72: {  	s19 =	simm.s32 $0x3C80;
	[sflag:s23] =	ssyncadd.s32 $0xFFFFE000  }
0x73: {  	[spmem:s2] =	stream.indirect.scatter.add.f32 [tilespmem:s29], [sflag:$0x4], $0x40, s19, s26, $0xb8;
	[tilespmem:$0x1CC00] =	vst v63  }
0x74: {  	_ =	swait.ge [sflag:s24], $0x2000  }
0x75: {  	[sflag:s24] =	ssyncset.done $0x0  }
0x76: {  	s21 =	simm.s32 $0x2900;
	[sflag:s24] =	ssyncadd.s32 $0xFFFFE000  }
0x77: {  	[tilespmem:s28], [sflag:$0x1] =	stream.indirect.gather [spmem:s3], $0x40, s21, s26, $0xb8;
	[tilespmem:$0x1CC00] =	vst v63  }
0x78: {  	_ =	swait.ge [sflag:s25], $0x2000  }
0x79: {  	[sflag:s25] =	ssyncset.done $0x0  }
0x7a: {  	s1 =	simm.s32 $0x400;
	s19 =	simm.s32 $0x2980;
	[sflag:s25] =	ssyncadd.s32 $0xFFFFE000  }
.LBB2_4:
0x7b: {  	[tilespmem:s29], [sflag:$0x2] =	stream.indirect.gather [spmem:s3], $0x40, s19, s26, $0xb8;
	[tilespmem:$0x1CC00] =	vst v63  }
0x7c: {  	s19 =	smov.u32 s1  }
0x7d: {  	p0 =	sne.s32 s1, $0x4800;
	s1 =	sadd.s32 $0x400, s1;
	_ =	swait.ge [sflag:s22], $0x2000  }
0x7e: {  	s19 =	sshra.s32 s19, $0x2;
	[sflag:s22] =	ssyncset.done $0x0  }
0x7f: {  	s21 =	sadd.s32 $0x3C00, s19;
	[sflag:s22] =	ssyncadd.s32 $0xFFFFE000  }
0x80: {  	[spmem:s2] =	stream.indirect.scatter.add.f32 [tilespmem:s28], [sflag:$0x3], $0x40, s21, s26, $0xb8;
	[tilespmem:$0x1CC00] =	vst v63  }
0x81: {  	_ =	swait.ge [sflag:s23], $0x2000  }
0x82: {  	[sflag:s23] =	ssyncset.done $0x0  }
0x83: {  	s21 =	sadd.s32 $0x3C80, s19;
	[sflag:s23] =	ssyncadd.s32 $0xFFFFE000  }
0x84: {  	[spmem:s2] =	stream.indirect.scatter.add.f32 [tilespmem:s29], [sflag:$0x4], $0x40, s21, s26, $0xb8;
	[tilespmem:$0x1CC00] =	vst v63  }
0x85: {  	_ =	swait.ge [sflag:s24], $0x2000  }
0x86: {  	[sflag:s24] =	ssyncset.done $0x0  }
.Ltmp1:
0x87: {  	s21 =	sadd.s32 $0x2900, s19;
	[sflag:s24] =	ssyncadd.s32 $0xFFFFE000;
	(pc) =	sbr.rel @p0 .LBB2_4-.Ltmp1, $4  }
0x88: {  	[tilespmem:s28], [sflag:$0x1] =	stream.indirect.gather [spmem:s3], $0x40, s21, s26, $0xb8;
	[tilespmem:$0x1CC00] =	vst v63  }
0x89: {  	_ =	swait.ge [sflag:s25], $0x2000  }
0x8a: {  	[sflag:s25] =	ssyncset.done $0x0  }
0x8b: {  	s19 =	sadd.s32 $0x2980, s19;
	[sflag:s25] =	ssyncadd.s32 $0xFFFFE000  }
0x8c: {  	[tilespmem:s29], [sflag:$0x2] =	stream.indirect.gather [spmem:s3], $0x40, s19, s26, $0xb8;
	[tilespmem:$0x1CC00] =	vst v63  }
0x8d: {  	_ =	swait.ge [sflag:s22], $0x2000  }
0x8e: {  	[sflag:s22] =	ssyncset.done $0x0  }
0x8f: {  	s1 =	simm.s32 $0x4F00;
	[sflag:s22] =	ssyncadd.s32 $0xFFFFE000  }
0x90: {  	[spmem:s2] =	stream.indirect.scatter.add.f32 [tilespmem:s28], [sflag:$0x3], $0x40, s1, s26, $0xb8;
	[tilespmem:$0x1CC00] =	vst v63  }
0x91: {  	_ =	swait.ge [sflag:s23], $0x2000  }
0x92: {  	[sflag:s23] =	ssyncset.done $0x0  }
0x93: {  	s21 =	simm.s32 $0x4F80;
	[sflag:s23] =	ssyncadd.s32 $0xFFFFE000  }
0x94: {  	[spmem:s2] =	stream.indirect.scatter.add.f32 [tilespmem:s29], [sflag:$0x4], $0x40, s21, s26, $0xb8;
	[tilespmem:$0x1CC00] =	vst v63  }
0x95: {  	_ =	swait.ge [sflag:s24], $0x2000  }
0x96: {  	[sflag:s24] =	ssyncset.done $0x0  }
0x97: {  	[sflag:s24] =	ssyncadd.s32 $0xFFFFE000  }
0x98: {  	_ =	swait.ge [sflag:s25], $0x2000  }
0x99: {  	s30 =	sadd.s32 $0x1, s30;
	[sflag:s25] =	ssyncset.done $0x0  }
0x9a: {  	p0 =	sne.s32 s30, s15;
	[sflag:s25] =	ssyncadd.s32 $0xFFFFE000  }
.Ltmp2:
0x9b: {  	[bflag:$0x0] =	sbarrier.arrive $0xFFFF;
	(pc) =	sbr.rel @p0 .LBB2_1-.Ltmp2, $4  }
0x9c: {  	[hbm:s14], [sflag:s31] =	dma.local [spmem:s16], $0x13C0  }
0x9d: {  	_ =	swait.ge [sflag:s0], $0x13C0  }
0x9e: {  	[sflag:s0] =	ssyncset.done $0x0  }
0x9f: {  	[sflag:s0] =	ssyncadd.s32 $0xFFFFEC40  }
0xa0: {  	_ =	sfence.sel $0x180000  }
0xa1: {  	[bflag:$0x0] =	sbarrier.arrive $0xFFFF  }
0xa2: {  	_ =	strace $0x90000047  }
0xa3: {  	s0 =	stileid.u32;
	[bflag:$0x2] =	sbarrier.arrive $0xFFFF  }
0xa4: {  	p0 =	sne.s32 s0, $0x0;
	s0 =	rddreg [dreg:$0x4]  }
0xa5: {  	s0 =	sadd.s32 @!p0 $0x100000, s0  }
0xa6: {  	[sflag:s0] =	ssyncadd.tile.s32 @!p0 $0x1;
	_ =	shalt  }
.Lfunc_end2:
_tile_overlayer_lowered:
.L_overlay_start_2:
0xa7: {  	(tag) =	ssettag $0x2  }
0xa8: {  	s0 =	rddreg [dreg:$0x0];
	s2 =	stileid.u32  }
0xa9: {  	s1 =	rddreg [dreg:$0x1];
	p0 =	sne.s32 s2, $0x0  }
0xaa: {  	s3 =	rddreg [dreg:$0x2];
	[bflag:$0x3] =	sbarrier.arrive $0xFFFF;
	s2 =	simm.s32 @!p0 $0x1C05  }
0xab: {  	[timem:s3], [sflag:s2] =	dma.local @!p0 [hbm:s0], s1  }
0xac: {  	s0 =	simm.s32 @!p0 $0x5  }
0xad: {  	_ =	swait.ge @!p0 [sflag:s0], s1  }
0xae: {  	s1 =	ssub.s32 @!p0 $0x0, s1;
	[sflag:s0] =	ssyncset.done @!p0 $0x0  }
0xaf: {  	[sflag:s0] =	ssyncadd.s32 @!p0 s1  }
0xb0: {  	[bflag:$0x3] =	sbarrier.arrive $0xFFFF  }
0xb1: {  	_ =	shalt  }

</sc_bundles>
